<compile_context>
chip_gen: v7x
topology: tpu7x:2x2x1
jax: 0.10.2.dev20260603
libtpu: 0.0.44.dev20260713+nightly
codegen_flags: <defaults>
</compile_context>

<pallas_src>
import functools

import jax
import jax.numpy as jnp
from jax import lax
from jax.experimental import pallas as pl
from jax.experimental.pallas import tpu as pltpu
from jax.experimental.pallas import tpu_sc as plsc

_LANES = 16
_NUM_CORES = 2
_NUM_SUBCORES = 16
_NUM_WORKERS = _NUM_CORES * _NUM_SUBCORES
_NEG_INF = float("-inf")


def _tree_max(vals):
    while len(vals) > 1:
        nxt = [jnp.maximum(vals[i], vals[i + 1]) for i in range(0, len(vals) - 1, 2)]
        if len(vals) % 2:
            nxt.append(vals[-1])
        vals = nxt
    return vals[0]


@functools.cache
def _make_sc_pool(num_slabs, rows, slab_stride, p):
    chunk = max(c for c in range(8, 25, 8)
                if rows % c == 0 and (rows // c) % 2 == 0)
    n_chunks = rows // chunk
    pv_unroll = 5
    n_pv_iter = p // (_LANES * pv_unroll)
    mesh = plsc.VectorSubcoreMesh(core_axis_name="c", subcore_axis_name="s")

    @functools.partial(
        pl.kernel,
        mesh=mesh,
        out_type=jax.ShapeDtypeStruct((num_slabs * p,), jnp.float32),
        compiler_params=pltpu.CompilerParams(needs_layout_passes=False),
        scratch_types=[
            pltpu.VMEM((chunk, p), jnp.float32),
            pltpu.VMEM((chunk, p), jnp.float32),
            pltpu.VMEM((p,), jnp.float32),
            pltpu.SemaphoreType.DMA,
            pltpu.SemaphoreType.DMA,
        ],
    )
    def sc_pool(acts_hbm, out_hbm, buf0, buf1, acc_v, sem0, sem1):
        wid = lax.axis_index("s") * _NUM_CORES + lax.axis_index("c")
        row0 = wid * slab_stride
        bufs = (buf0, buf1)
        sems = (sem0, sem1)
        ninf = jnp.full((_LANES,), _NEG_INF, jnp.float32)

        @pl.loop(0, p // _LANES)
        def _init(pv):
            acc_v[pl.ds(pv * _LANES, _LANES)] = ninf

        for b in range(2):
            pltpu.async_copy(
                acts_hbm.at[pl.ds(row0 + b * chunk, chunk), :], bufs[b], sems[b])

        @pl.loop(0, n_chunks, step=2)
        def _chunks(g):
            for b in range(2):
                gi = g + b
                pltpu.make_async_copy(
                    acts_hbm.at[pl.ds(0, chunk), :], bufs[b], sems[b]).wait()

                @pl.loop(0, n_pv_iter)
                def _cols(i, b=b):
                    base = i * (_LANES * pv_unroll)
                    for u in range(pv_unroll):
                        c0 = base + u * _LANES
                        vals = [bufs[b][s, pl.ds(c0, _LANES)]
                                for s in range(chunk)]
                        vals.append(acc_v[pl.ds(c0, _LANES)])
                        acc_v[pl.ds(c0, _LANES)] = _tree_max(vals)

                @pl.when(gi + 2 < n_chunks)
                def _refill(b=b, gi=gi):
                    pltpu.async_copy(
                        acts_hbm.at[pl.ds(row0 + (gi + 2) * chunk, chunk), :],
                        bufs[b], sems[b])

        pltpu.sync_copy(acc_v, out_hbm.at[pl.ds(wid * p, p)])

    return sc_pool


def _tc_pool_body(x_ref, o_ref):
    k = pl.program_id(0)
    m = jnp.max(x_ref[...], axis=1)

    @pl.when(k == 0)
    def _init():
        o_ref[...] = m

    @pl.when(k > 0)
    def _fold():
        o_ref[...] = jnp.maximum(o_ref[...], m)


def _mm_body(sc_ref, tc_ref, w_ref, o_ref):
    sim = jnp.maximum(sc_ref[...], tc_ref[...])
    o_ref[...] = lax.dot_general(
        sim, w_ref[...], (((1,), (1,)), ((), ())),
        preferred_element_type=jnp.float32)


_SC_ROWS = 224
_TC_BLK = 32


def kernel(prototype_activations, upsampled_activation, W):
    B, P, H, Wsp = prototype_activations.shape
    hw = H * Wsp
    C = W.shape[0]
    xt = prototype_activations.transpose(0, 2, 3, 1).reshape(B * hw, P)
    sc_part = _make_sc_pool(B, _SC_ROWS, hw, P)(xt).reshape(B, P)
    xt3 = xt.reshape(B, hw, P)
    n_tc_blocks = (hw - _SC_ROWS) // _TC_BLK
    tc_part = pl.pallas_call(
        _tc_pool_body,
        grid=(n_tc_blocks,),
        in_specs=[pl.BlockSpec((B, _TC_BLK, P),
                               lambda k: (0, _SC_ROWS // _TC_BLK + k, 0))],
        out_specs=pl.BlockSpec((B, P), lambda k: (0, 0)),
        out_shape=jax.ShapeDtypeStruct((B, P), jnp.float32),
    )(xt3)
    logits = pl.pallas_call(
        _mm_body,
        out_shape=jax.ShapeDtypeStruct((B, C), jnp.float32),
    )(sc_part, tc_part, W)
    return logits

# --- scband reference (transcript-rebuilt; emitter-appended) ---
"""Pipeline reference for scband-prototype-prediction-head-75849122447596 (READ-ONLY COPY).

The authoritative reference and input builder live on the scoring server;
editing this copy changes nothing except your own understanding.
"""

import jax, jax.numpy as jnp
import numpy as np

NUM_CLASSES = 200
NUM_PROTOTYPES = 2000
K_FOR_TOPK = 1
INCORRECT_CLASS_CONNECTION = -0.5


def _build_class_connection_weight():
    # prototype_class_identity: [P, C], block identity (10 prototypes per class)
    proto_class_identity = jnp.repeat(jnp.eye(NUM_CLASSES, dtype=jnp.float32), NUM_PROTOTYPES // NUM_CLASSES, axis=0)
    positive = proto_class_identity.T  # [C, P]
    negative = 1.0 - positive
    return 1.0 * positive + INCORRECT_CLASS_CONNECTION * negative  # [C, P]


def setup_inputs(seed: int = 0) -> dict:
    key = jax.random.key(seed)
    k1, k2 = jax.random.split(key)
    prototype_activations = jax.random.normal(k1, (32, 2000, 24, 24), dtype=jnp.float32)
    upsampled_activation = jax.random.normal(k2, (32, 2000, 24, 24), dtype=jnp.float32)
    W = _build_class_connection_weight()
    return {
        "prototype_activations": prototype_activations,
        "upsampled_activation": upsampled_activation,
        "W": W,
    }


def reference(prototype_activations, upsampled_activation, W):
    B = prototype_activations.shape[0]
    P = prototype_activations.shape[1]
    acts = prototype_activations.reshape(B, P, -1)  # [B, P, HW]
    k = min(K_FOR_TOPK, acts.shape[-1])
    topk_vals, _ = jax.lax.top_k(acts, k)  # [B, P, k]
    similarity_score_to_each_prototype = jnp.mean(topk_vals, axis=-1)  # [B, P]
    logits = similarity_score_to_each_prototype @ W.T  # [B, C]
    return logits

if __name__ == "__main__":
    import jax
    _d = setup_inputs()
    print(jax.jit(kernel)(*tuple(_d.values())))

</pallas_src>

<mosaic_0001>
#map = affine_map<(d0, d1) -> (0, 0)>
#map1 = affine_map<(d0, d1) -> (0)>
module attributes {stable_mosaic.version = 14 : i64} {
  func.func @sc_pool(%arg0: i32, %arg1: i32, %arg2: memref<18432x2000xf32, #tpu.memory_space<hbm>>, %arg3: memref<64000xf32, #tpu.memory_space<hbm>>, %arg4: memref<16x2000xf32, #tpu.memory_space<vmem>>, %arg5: memref<16x2000xf32, #tpu.memory_space<vmem>>, %arg6: memref<2000xf32, #tpu.memory_space<vmem>>, %arg7: memref<!tpu.dma_semaphore, #tpu.memory_space<semaphore_mem>>, %arg8: memref<!tpu.dma_semaphore, #tpu.memory_space<semaphore_mem>>) attributes {dimension_semantics = [#tpu.dimension_semantics<core_parallel>, #tpu.dimension_semantics<subcore_parallel>], iteration_bounds = array<i64: 2, 16>, scalar_prefetch = 0 : i64, scratch_operands = 5 : i64, tpu.core_type = #tpu.core_type<sc_vector_subcore>, window_params = [{transform_indices = #map}, {transform_indices = #map1}]} {
    %mul3A = arith.constant 2 : i32
    %mul3A_0 = arith.muli %arg1, %mul3A : i32
    %add3A = arith.addi %mul3A_0, %arg0 : i32
    %mul3A_1 = arith.constant 576 : i32
    %mul3A_2 = arith.muli %add3A, %mul3A_1 : i32
    %broadcast_in_dim3A = arith.constant 0xFF800000 : f32
    %broadcast_in_dim3A_3 = vector.broadcast %broadcast_in_dim3A : f32 to vector<16xf32>
    %scan3A = arith.constant 0 : i32
    %scan3A_4 = arith.constant 125 : i32
    %scan3A_5 = arith.addi %scan3A, %scan3A_4 : i32
    %scan3A_6 = arith.constant 1 : i32
    scf.for %scan3A_26 = %scan3A to %scan3A_5 step %scan3A_6  : i32 {
      %mul3A_27 = arith.constant 1 : i32
      %mul3A_28 = arith.muli %scan3A_26, %mul3A_27 : i32
      %add3A_29 = arith.constant 0 : i32
      %add3A_30 = arith.addi %add3A_29, %mul3A_28 : i32
      %mul3A_31 = arith.constant 16 : i32
      %mul3A_32 = arith.muli %add3A_30, %mul3A_31 : i32
      %swap3A = arith.index_cast %mul3A_32 : i32 to index
      %swap3A_33 = tpu.vector_load %arg6[%swap3A] {strides = array<i32>} : memref<2000xf32, #tpu.memory_space<vmem>>, vector<16xf32>,
      tpu.vector_store %arg6[%swap3A], %broadcast_in_dim3A_3 {strides = array<i32>} : memref<2000xf32, #tpu.memory_space<vmem>>, vector<16xf32>,
    }
    %scan3A_7 = arith.constant 125 : i32
    %add3A_8 = arith.constant 0 : i32
    %add3A_9 = arith.addi %mul3A_2, %add3A_8 : i32
    %dma_start3A = arith.constant 0 : i32
    %dma_start3A_10 = tpu.memref_slice %arg2[%add3A_9, %dma_start3A] : memref<18432x2000xf32, #tpu.memory_space<hbm>> -> memref<16x2000xf32, #tpu.memory_space<hbm>>
    %dma_start3A_11 = arith.constant 0 : i32
    %dma_start3A_12 = tpu.memref_slice %arg2[%add3A_9, %dma_start3A_11] : memref<18432x2000xf32, #tpu.memory_space<hbm>> -> memref<16x2000xf32, #tpu.memory_space<hbm>>
    tpu.enqueue_dma source(%dma_start3A_12 : memref<16x2000xf32, #tpu.memory_space<hbm>>) target(%arg4 : memref<16x2000xf32, #tpu.memory_space<vmem>>) target_semaphore(%arg7 : memref<!tpu.dma_semaphore, #tpu.memory_space<semaphore_mem>>)
    %add3A_13 = arith.constant 16 : i32
    %add3A_14 = arith.addi %mul3A_2, %add3A_13 : i32
    %dma_start3A_15 = arith.constant 0 : i32
    %dma_start3A_16 = tpu.memref_slice %arg2[%add3A_14, %dma_start3A_15] : memref<18432x2000xf32, #tpu.memory_space<hbm>> -> memref<16x2000xf32, #tpu.memory_space<hbm>>
    %dma_start3A_17 = arith.constant 0 : i32
    %dma_start3A_18 = tpu.memref_slice %arg2[%add3A_14, %dma_start3A_17] : memref<18432x2000xf32, #tpu.memory_space<hbm>> -> memref<16x2000xf32, #tpu.memory_space<hbm>>
    tpu.enqueue_dma source(%dma_start3A_18 : memref<16x2000xf32, #tpu.memory_space<hbm>>) target(%arg5 : memref<16x2000xf32, #tpu.memory_space<vmem>>) target_semaphore(%arg8 : memref<!tpu.dma_semaphore, #tpu.memory_space<semaphore_mem>>)
    %scan3A_19 = arith.constant 0 : i32
    %scan3A_20 = arith.constant 7 : i32
    %scan3A_21 = arith.addi %scan3A_19, %scan3A_20 : i32
    %scan3A_22 = arith.constant 1 : i32
    scf.for %scan3A_26 = %scan3A_19 to %scan3A_21 step %scan3A_22  : i32 {
      %mul3A_27 = arith.constant 2 : i32
      %mul3A_28 = arith.muli %scan3A_26, %mul3A_27 : i32
      %add3A_29 = arith.constant 0 : i32
      %add3A_30 = arith.addi %add3A_29, %mul3A_28 : i32
      %add3A_31 = arith.constant 0 : i32
      %add3A_32 = arith.addi %add3A_30, %add3A_31 : i32
      %dma_wait3A = arith.constant 0 : i32
      %dma_wait3A_33 = arith.constant 0 : i32
      %dma_wait3A_34 = tpu.memref_slice %arg2[%dma_wait3A, %dma_wait3A_33] : memref<18432x2000xf32, #tpu.memory_space<hbm>> -> memref<16x2000xf32, #tpu.memory_space<hbm>>
      %dma_wait3A_35 = arith.constant 0 : i32
      %dma_wait3A_36 = arith.constant 0 : i32
      %dma_wait3A_37 = tpu.memref_slice %arg2[%dma_wait3A_35, %dma_wait3A_36] : memref<18432x2000xf32, #tpu.memory_space<hbm>> -> memref<16x2000xf32, #tpu.memory_space<hbm>>
      tpu.wait_dma2 semaphore(%arg7 : memref<!tpu.dma_semaphore, #tpu.memory_space<semaphore_mem>>) src(%dma_wait3A_37 : memref<16x2000xf32, #tpu.memory_space<hbm>>) dst(%arg4 : memref<16x2000xf32, #tpu.memory_space<vmem>>)
      %scan3A_38 = arith.constant 0 : i32
      %scan3A_39 = arith.constant 25 : i32
      %scan3A_40 = arith.addi %scan3A_38, %scan3A_39 : i32
      %scan3A_41 = arith.constant 1 : i32
      scf.for %scan3A_67 = %scan3A_38 to %scan3A_40 step %scan3A_41  : i32 {
        %mul3A_68 = arith.constant 1 : i32
        %mul3A_69 = arith.muli %scan3A_67, %mul3A_68 : i32
        %add3A_70 = arith.constant 0 : i32
        %add3A_71 = arith.addi %add3A_70, %mul3A_69 : i32
        %mul3A_72 = arith.constant 80 : i32
        %mul3A_73 = arith.muli %add3A_71, %mul3A_72 : i32
        %add3A_74 = arith.constant 0 : i32
        %add3A_75 = arith.addi %mul3A_73, %add3A_74 : i32
        %get3A = arith.constant 0 : i32
        %get3A_76 = arith.index_cast %get3A : i32 to index
        %get3A_77 = arith.index_cast %add3A_75 : i32 to index
        %get3A_78 = tpu.vector_load %arg4[%get3A_76, %get3A_77] {strides = array<i32>} : memref<16x2000xf32, #tpu.memory_space<vmem>>, vector<16xf32>,
        %get3A_79 = arith.constant 1 : i32
        %get3A_80 = arith.index_cast %get3A_79 : i32 to index
        %get3A_81 = arith.index_cast %add3A_75 : i32 to index
        %get3A_82 = tpu.vector_load %arg4[%get3A_80, %get3A_81] {strides = array<i32>} : memref<16x2000xf32, #tpu.memory_space<vmem>>, vector<16xf32>,
        %get3A_83 = arith.constant 2 : i32
        %get3A_84 = arith.index_cast %get3A_83 : i32 to index
        %get3A_85 = arith.index_cast %add3A_75 : i32 to index
        %get3A_86 = tpu.vector_load %arg4[%get3A_84, %get3A_85] {strides = array<i32>} : memref<16x2000xf32, #tpu.memory_space<vmem>>, vector<16xf32>,
        %get3A_87 = arith.constant 3 : i32
        %get3A_88 = arith.index_cast %get3A_87 : i32 to index
        %get3A_89 = arith.index_cast %add3A_75 : i32 to index
        %get3A_90 = tpu.vector_load %arg4[%get3A_88, %get3A_89] {strides = array<i32>} : memref<16x2000xf32, #tpu.memory_space<vmem>>, vector<16xf32>,
        %get3A_91 = arith.constant 4 : i32
        %get3A_92 = arith.index_cast %get3A_91 : i32 to index
        %get3A_93 = arith.index_cast %add3A_75 : i32 to index
        %get3A_94 = tpu.vector_load %arg4[%get3A_92, %get3A_93] {strides = array<i32>} : memref<16x2000xf32, #tpu.memory_space<vmem>>, vector<16xf32>,
        %get3A_95 = arith.constant 5 : i32
        %get3A_96 = arith.index_cast %get3A_95 : i32 to index
        %get3A_97 = arith.index_cast %add3A_75 : i32 to index
        %get3A_98 = tpu.vector_load %arg4[%get3A_96, %get3A_97] {strides = array<i32>} : memref<16x2000xf32, #tpu.memory_space<vmem>>, vector<16xf32>,
        %get3A_99 = arith.constant 6 : i32
        %get3A_100 = arith.index_cast %get3A_99 : i32 to index
        %get3A_101 = arith.index_cast %add3A_75 : i32 to index
        %get3A_102 = tpu.vector_load %arg4[%get3A_100, %get3A_101] {strides = array<i32>} : memref<16x2000xf32, #tpu.memory_space<vmem>>, vector<16xf32>,
        %get3A_103 = arith.constant 7 : i32
        %get3A_104 = arith.index_cast %get3A_103 : i32 to index
        %get3A_105 = arith.index_cast %add3A_75 : i32 to index
        %get3A_106 = tpu.vector_load %arg4[%get3A_104, %get3A_105] {strides = array<i32>} : memref<16x2000xf32, #tpu.memory_space<vmem>>, vector<16xf32>,
        %get3A_107 = arith.constant 8 : i32
        %get3A_108 = arith.index_cast %get3A_107 : i32 to index
        %get3A_109 = arith.index_cast %add3A_75 : i32 to index
        %get3A_110 = tpu.vector_load %arg4[%get3A_108, %get3A_109] {strides = array<i32>} : memref<16x2000xf32, #tpu.memory_space<vmem>>, vector<16xf32>,
        %get3A_111 = arith.constant 9 : i32
        %get3A_112 = arith.index_cast %get3A_111 : i32 to index
        %get3A_113 = arith.index_cast %add3A_75 : i32 to index
        %get3A_114 = tpu.vector_load %arg4[%get3A_112, %get3A_113] {strides = array<i32>} : memref<16x2000xf32, #tpu.memory_space<vmem>>, vector<16xf32>,
        %get3A_115 = arith.constant 10 : i32
        %get3A_116 = arith.index_cast %get3A_115 : i32 to index
        %get3A_117 = arith.index_cast %add3A_75 : i32 to index
        %get3A_118 = tpu.vector_load %arg4[%get3A_116, %get3A_117] {strides = array<i32>} : memref<16x2000xf32, #tpu.memory_space<vmem>>, vector<16xf32>,
        %get3A_119 = arith.constant 11 : i32
        %get3A_120 = arith.index_cast %get3A_119 : i32 to index
        %get3A_121 = arith.index_cast %add3A_75 : i32 to index
        %get3A_122 = tpu.vector_load %arg4[%get3A_120, %get3A_121] {strides = array<i32>} : memref<16x2000xf32, #tpu.memory_space<vmem>>, vector<16xf32>,
        %get3A_123 = arith.constant 12 : i32
        %get3A_124 = arith.index_cast %get3A_123 : i32 to index
        %get3A_125 = arith.index_cast %add3A_75 : i32 to index
        %get3A_126 = tpu.vector_load %arg4[%get3A_124, %get3A_125] {strides = array<i32>} : memref<16x2000xf32, #tpu.memory_space<vmem>>, vector<16xf32>,
        %get3A_127 = arith.constant 13 : i32
        %get3A_128 = arith.index_cast %get3A_127 : i32 to index
        %get3A_129 = arith.index_cast %add3A_75 : i32 to index
        %get3A_130 = tpu.vector_load %arg4[%get3A_128, %get3A_129] {strides = array<i32>} : memref<16x2000xf32, #tpu.memory_space<vmem>>, vector<16xf32>,
        %get3A_131 = arith.constant 14 : i32
        %get3A_132 = arith.index_cast %get3A_131 : i32 to index
        %get3A_133 = arith.index_cast %add3A_75 : i32 to index
        %get3A_134 = tpu.vector_load %arg4[%get3A_132, %get3A_133] {strides = array<i32>} : memref<16x2000xf32, #tpu.memory_space<vmem>>, vector<16xf32>,
        %get3A_135 = arith.constant 15 : i32
        %get3A_136 = arith.index_cast %get3A_135 : i32 to index
        %get3A_137 = arith.index_cast %add3A_75 : i32 to index
        %get3A_138 = tpu.vector_load %arg4[%get3A_136, %get3A_137] {strides = array<i32>} : memref<16x2000xf32, #tpu.memory_space<vmem>>, vector<16xf32>,
        %get3A_139 = arith.index_cast %add3A_75 : i32 to index
        %get3A_140 = tpu.vector_load %arg6[%get3A_139] {strides = array<i32>} : memref<2000xf32, #tpu.memory_space<vmem>>, vector<16xf32>,
        %max3A = arith.maximumf %get3A_78, %get3A_82 : vector<16xf32>
        %max3A_141 = arith.maximumf %get3A_86, %get3A_90 : vector<16xf32>
        %max3A_142 = arith.maximumf %get3A_94, %get3A_98 : vector<16xf32>
        %max3A_143 = arith.maximumf %get3A_102, %get3A_106 : vector<16xf32>
        %max3A_144 = arith.maximumf %get3A_110, %get3A_114 : vector<16xf32>
        %max3A_145 = arith.maximumf %get3A_118, %get3A_122 : vector<16xf32>
        %max3A_146 = arith.maximumf %get3A_126, %get3A_130 : vector<16xf32>
        %max3A_147 = arith.maximumf %get3A_134, %get3A_138 : vector<16xf32>
        %max3A_148 = arith.maximumf %max3A, %max3A_141 : vector<16xf32>
        %max3A_149 = arith.maximumf %max3A_142, %max3A_143 : vector<16xf32>
        %max3A_150 = arith.maximumf %max3A_144, %max3A_145 : vector<16xf32>
        %max3A_151 = arith.maximumf %max3A_146, %max3A_147 : vector<16xf32>
        %max3A_152 = arith.maximumf %max3A_148, %max3A_149 : vector<16xf32>
        %max3A_153 = arith.maximumf %max3A_150, %max3A_151 : vector<16xf32>
        %max3A_154 = arith.maximumf %max3A_152, %max3A_153 : vector<16xf32>
        %max3A_155 = arith.maximumf %max3A_154, %get3A_140 : vector<16xf32>
        %swap3A = arith.index_cast %add3A_75 : i32 to index
        %swap3A_156 = tpu.vector_load %arg6[%swap3A] {strides = array<i32>} : memref<2000xf32, #tpu.memory_space<vmem>>, vector<16xf32>,
        tpu.vector_store %arg6[%swap3A], %max3A_155 {strides = array<i32>} : memref<2000xf32, #tpu.memory_space<vmem>>, vector<16xf32>,
        %add3A_157 = arith.constant 16 : i32
        %add3A_158 = arith.addi %mul3A_73, %add3A_157 : i32
        %get3A_159 = arith.constant 0 : i32
        %get3A_160 = arith.index_cast %get3A_159 : i32 to index
        %get3A_161 = arith.index_cast %add3A_158 : i32 to index
        %get3A_162 = tpu.vector_load %arg4[%get3A_160, %get3A_161] {strides = array<i32>} : memref<16x2000xf32, #tpu.memory_space<vmem>>, vector<16xf32>,
        %get3A_163 = arith.constant 1 : i32
        %get3A_164 = arith.index_cast %get3A_163 : i32 to index
        %get3A_165 = arith.index_cast %add3A_158 : i32 to index
        %get3A_166 = tpu.vector_load %arg4[%get3A_164, %get3A_165] {strides = array<i32>} : memref<16x2000xf32, #tpu.memory_space<vmem>>, vector<16xf32>,
        %get3A_167 = arith.constant 2 : i32
        %get3A_168 = arith.index_cast %get3A_167 : i32 to index
        %get3A_169 = arith.index_cast %add3A_158 : i32 to index
        %get3A_170 = tpu.vector_load %arg4[%get3A_168, %get3A_169] {strides = array<i32>} : memref<16x2000xf32, #tpu.memory_space<vmem>>, vector<16xf32>,
        %get3A_171 = arith.constant 3 : i32
        %get3A_172 = arith.index_cast %get3A_171 : i32 to index
        %get3A_173 = arith.index_cast %add3A_158 : i32 to index
        %get3A_174 = tpu.vector_load %arg4[%get3A_172, %get3A_173] {strides = array<i32>} : memref<16x2000xf32, #tpu.memory_space<vmem>>, vector<16xf32>,
        %get3A_175 = arith.constant 4 : i32
        %get3A_176 = arith.index_cast %get3A_175 : i32 to index
        %get3A_177 = arith.index_cast %add3A_158 : i32 to index
        %get3A_178 = tpu.vector_load %arg4[%get3A_176, %get3A_177] {strides = array<i32>} : memref<16x2000xf32, #tpu.memory_space<vmem>>, vector<16xf32>,
        %get3A_179 = arith.constant 5 : i32
        %get3A_180 = arith.index_cast %get3A_179 : i32 to index
        %get3A_181 = arith.index_cast %add3A_158 : i32 to index
        %get3A_182 = tpu.vector_load %arg4[%get3A_180, %get3A_181] {strides = array<i32>} : memref<16x2000xf32, #tpu.memory_space<vmem>>, vector<16xf32>,
        %get3A_183 = arith.constant 6 : i32
        %get3A_184 = arith.index_cast %get3A_183 : i32 to index
        %get3A_185 = arith.index_cast %add3A_158 : i32 to index
        %get3A_186 = tpu.vector_load %arg4[%get3A_184, %get3A_185] {strides = array<i32>} : memref<16x2000xf32, #tpu.memory_space<vmem>>, vector<16xf32>,
        %get3A_187 = arith.constant 7 : i32
        %get3A_188 = arith.index_cast %get3A_187 : i32 to index
        %get3A_189 = arith.index_cast %add3A_158 : i32 to index
        %get3A_190 = tpu.vector_load %arg4[%get3A_188, %get3A_189] {strides = array<i32>} : memref<16x2000xf32, #tpu.memory_space<vmem>>, vector<16xf32>,
        %get3A_191 = arith.constant 8 : i32
        %get3A_192 = arith.index_cast %get3A_191 : i32 to index
        %get3A_193 = arith.index_cast %add3A_158 : i32 to index
        %get3A_194 = tpu.vector_load %arg4[%get3A_192, %get3A_193] {strides = array<i32>} : memref<16x2000xf32, #tpu.memory_space<vmem>>, vector<16xf32>,
        %get3A_195 = arith.constant 9 : i32
        %get3A_196 = arith.index_cast %get3A_195 : i32 to index
        %get3A_197 = arith.index_cast %add3A_158 : i32 to index
        %get3A_198 = tpu.vector_load %arg4[%get3A_196, %get3A_197] {strides = array<i32>} : memref<16x2000xf32, #tpu.memory_space<vmem>>, vector<16xf32>,
        %get3A_199 = arith.constant 10 : i32
        %get3A_200 = arith.index_cast %get3A_199 : i32 to index
        %get3A_201 = arith.index_cast %add3A_158 : i32 to index
        %get3A_202 = tpu.vector_load %arg4[%get3A_200, %get3A_201] {strides = array<i32>} : memref<16x2000xf32, #tpu.memory_space<vmem>>, vector<16xf32>,
        %get3A_203 = arith.constant 11 : i32
        %get3A_204 = arith.index_cast %get3A_203 : i32 to index
        %get3A_205 = arith.index_cast %add3A_158 : i32 to index
        %get3A_206 = tpu.vector_load %arg4[%get3A_204, %get3A_205] {strides = array<i32>} : memref<16x2000xf32, #tpu.memory_space<vmem>>, vector<16xf32>,
        %get3A_207 = arith.constant 12 : i32
        %get3A_208 = arith.index_cast %get3A_207 : i32 to index
        %get3A_209 = arith.index_cast %add3A_158 : i32 to index
        %get3A_210 = tpu.vector_load %arg4[%get3A_208, %get3A_209] {strides = array<i32>} : memref<16x2000xf32, #tpu.memory_space<vmem>>, vector<16xf32>,
        %get3A_211 = arith.constant 13 : i32
        %get3A_212 = arith.index_cast %get3A_211 : i32 to index
        %get3A_213 = arith.index_cast %add3A_158 : i32 to index
        %get3A_214 = tpu.vector_load %arg4[%get3A_212, %get3A_213] {strides = array<i32>} : memref<16x2000xf32, #tpu.memory_space<vmem>>, vector<16xf32>,
        %get3A_215 = arith.constant 14 : i32
        %get3A_216 = arith.index_cast %get3A_215 : i32 to index
        %get3A_217 = arith.index_cast %add3A_158 : i32 to index
        %get3A_218 = tpu.vector_load %arg4[%get3A_216, %get3A_217] {strides = array<i32>} : memref<16x2000xf32, #tpu.memory_space<vmem>>, vector<16xf32>,
        %get3A_219 = arith.constant 15 : i32
        %get3A_220 = arith.index_cast %get3A_219 : i32 to index
        %get3A_221 = arith.index_cast %add3A_158 : i32 to index
        %get3A_222 = tpu.vector_load %arg4[%get3A_220, %get3A_221] {strides = array<i32>} : memref<16x2000xf32, #tpu.memory_space<vmem>>, vector<16xf32>,
        %get3A_223 = arith.index_cast %add3A_158 : i32 to index
        %get3A_224 = tpu.vector_load %arg6[%get3A_223] {strides = array<i32>} : memref<2000xf32, #tpu.memory_space<vmem>>, vector<16xf32>,
        %max3A_225 = arith.maximumf %get3A_162, %get3A_166 : vector<16xf32>
        %max3A_226 = arith.maximumf %get3A_170, %get3A_174 : vector<16xf32>
        %max3A_227 = arith.maximumf %get3A_178, %get3A_182 : vector<16xf32>
        %max3A_228 = arith.maximumf %get3A_186, %get3A_190 : vector<16xf32>
        %max3A_229 = arith.maximumf %get3A_194, %get3A_198 : vector<16xf32>
        %max3A_230 = arith.maximumf %get3A_202, %get3A_206 : vector<16xf32>
        %max3A_231 = arith.maximumf %get3A_210, %get3A_214 : vector<16xf32>
        %max3A_232 = arith.maximumf %get3A_218, %get3A_222 : vector<16xf32>
        %max3A_233 = arith.maximumf %max3A_225, %max3A_226 : vector<16xf32>
        %max3A_234 = arith.maximumf %max3A_227, %max3A_228 : vector<16xf32>
        %max3A_235 = arith.maximumf %max3A_229, %max3A_230 : vector<16xf32>
        %max3A_236 = arith.maximumf %max3A_231, %max3A_232 : vector<16xf32>
        %max3A_237 = arith.maximumf %max3A_233, %max3A_234 : vector<16xf32>
        %max3A_238 = arith.maximumf %max3A_235, %max3A_236 : vector<16xf32>
        %max3A_239 = arith.maximumf %max3A_237, %max3A_238 : vector<16xf32>
        %max3A_240 = arith.maximumf %max3A_239, %get3A_224 : vector<16xf32>
        %swap3A_241 = arith.index_cast %add3A_158 : i32 to index
        %swap3A_242 = tpu.vector_load %arg6[%swap3A_241] {strides = array<i32>} : memref<2000xf32, #tpu.memory_space<vmem>>, vector<16xf32>,
        tpu.vector_store %arg6[%swap3A_241], %max3A_240 {strides = array<i32>} : memref<2000xf32, #tpu.memory_space<vmem>>, vector<16xf32>,
        %add3A_243 = arith.constant 32 : i32
        %add3A_244 = arith.addi %mul3A_73, %add3A_243 : i32
        %get3A_245 = arith.constant 0 : i32
        %get3A_246 = arith.index_cast %get3A_245 : i32 to index
        %get3A_247 = arith.index_cast %add3A_244 : i32 to index
        %get3A_248 = tpu.vector_load %arg4[%get3A_246, %get3A_247] {strides = array<i32>} : memref<16x2000xf32, #tpu.memory_space<vmem>>, vector<16xf32>,
        %get3A_249 = arith.constant 1 : i32
        %get3A_250 = arith.index_cast %get3A_249 : i32 to index
        %get3A_251 = arith.index_cast %add3A_244 : i32 to index
        %get3A_252 = tpu.vector_load %arg4[%get3A_250, %get3A_251] {strides = array<i32>} : memref<16x2000xf32, #tpu.memory_space<vmem>>, vector<16xf32>,
        %get3A_253 = arith.constant 2 : i32
        %get3A_254 = arith.index_cast %get3A_253 : i32 to index
        %get3A_255 = arith.index_cast %add3A_244 : i32 to index
        %get3A_256 = tpu.vector_load %arg4[%get3A_254, %get3A_255] {strides = array<i32>} : memref<16x2000xf32, #tpu.memory_space<vmem>>, vector<16xf32>,
        %get3A_257 = arith.constant 3 : i32
        %get3A_258 = arith.index_cast %get3A_257 : i32 to index
        %get3A_259 = arith.index_cast %add3A_244 : i32 to index
        %get3A_260 = tpu.vector_load %arg4[%get3A_258, %get3A_259] {strides = array<i32>} : memref<16x2000xf32, #tpu.memory_space<vmem>>, vector<16xf32>,
        %get3A_261 = arith.constant 4 : i32
        %get3A_262 = arith.index_cast %get3A_261 : i32 to index
        %get3A_263 = arith.index_cast %add3A_244 : i32 to index
        %get3A_264 = tpu.vector_load %arg4[%get3A_262, %get3A_263] {strides = array<i32>} : memref<16x2000xf32, #tpu.memory_space<vmem>>, vector<16xf32>,
        %get3A_265 = arith.constant 5 : i32
        %get3A_266 = arith.index_cast %get3A_265 : i32 to index
        %get3A_267 = arith.index_cast %add3A_244 : i32 to index
        %get3A_268 = tpu.vector_load %arg4[%get3A_266, %get3A_267] {strides = array<i32>} : memref<16x2000xf32, #tpu.memory_space<vmem>>, vector<16xf32>,
        %get3A_269 = arith.constant 6 : i32
        %get3A_270 = arith.index_cast %get3A_269 : i32 to index
        %get3A_271 = arith.index_cast %add3A_244 : i32 to index
        %get3A_272 = tpu.vector_load %arg4[%get3A_270, %get3A_271] {strides = array<i32>} : memref<16x2000xf32, #tpu.memory_space<vmem>>, vector<16xf32>,
        %get3A_273 = arith.constant 7 : i32
        %get3A_274 = arith.index_cast %get3A_273 : i32 to index
        %get3A_275 = arith.index_cast %add3A_244 : i32 to index
        %get3A_276 = tpu.vector_load %arg4[%get3A_274, %get3A_275] {strides = array<i32>} : memref<16x2000xf32, #tpu.memory_space<vmem>>, vector<16xf32>,
        %get3A_277 = arith.constant 8 : i32
        %get3A_278 = arith.index_cast %get3A_277 : i32 to index
        %get3A_279 = arith.index_cast %add3A_244 : i32 to index
        %get3A_280 = tpu.vector_load %arg4[%get3A_278, %get3A_279] {strides = array<i32>} : memref<16x2000xf32, #tpu.memory_space<vmem>>, vector<16xf32>,
        %get3A_281 = arith.constant 9 : i32
        %get3A_282 = arith.index_cast %get3A_281 : i32 to index
        %get3A_283 = arith.index_cast %add3A_244 : i32 to index
        %get3A_284 = tpu.vector_load %arg4[%get3A_282, %get3A_283] {strides = array<i32>} : memref<16x2000xf32, #tpu.memory_space<vmem>>, vector<16xf32>,
        %get3A_285 = arith.constant 10 : i32
        %get3A_286 = arith.index_cast %get3A_285 : i32 to index
        %get3A_287 = arith.index_cast %add3A_244 : i32 to index
        %get3A_288 = tpu.vector_load %arg4[%get3A_286, %get3A_287] {strides = array<i32>} : memref<16x2000xf32, #tpu.memory_space<vmem>>, vector<16xf32>,
        %get3A_289 = arith.constant 11 : i32
        %get3A_290 = arith.index_cast %get3A_289 : i32 to index
        %get3A_291 = arith.index_cast %add3A_244 : i32 to index
        %get3A_292 = tpu.vector_load %arg4[%get3A_290, %get3A_291] {strides = array<i32>} : memref<16x2000xf32, #tpu.memory_space<vmem>>, vector<16xf32>,
        %get3A_293 = arith.constant 12 : i32
        %get3A_294 = arith.index_cast %get3A_293 : i32 to index
        %get3A_295 = arith.index_cast %add3A_244 : i32 to index
        %get3A_296 = tpu.vector_load %arg4[%get3A_294, %get3A_295] {strides = array<i32>} : memref<16x2000xf32, #tpu.memory_space<vmem>>, vector<16xf32>,
        %get3A_297 = arith.constant 13 : i32
        %get3A_298 = arith.index_cast %get3A_297 : i32 to index
        %get3A_299 = arith.index_cast %add3A_244 : i32 to index
        %get3A_300 = tpu.vector_load %arg4[%get3A_298, %get3A_299] {strides = array<i32>} : memref<16x2000xf32, #tpu.memory_space<vmem>>, vector<16xf32>,
        %get3A_301 = arith.constant 14 : i32
        %get3A_302 = arith.index_cast %get3A_301 : i32 to index
        %get3A_303 = arith.index_cast %add3A_244 : i32 to index
        %get3A_304 = tpu.vector_load %arg4[%get3A_302, %get3A_303] {strides = array<i32>} : memref<16x2000xf32, #tpu.memory_space<vmem>>, vector<16xf32>,
        %get3A_305 = arith.constant 15 : i32
        %get3A_306 = arith.index_cast %get3A_305 : i32 to index
        %get3A_307 = arith.index_cast %add3A_244 : i32 to index
        %get3A_308 = tpu.vector_load %arg4[%get3A_306, %get3A_307] {strides = array<i32>} : memref<16x2000xf32, #tpu.memory_space<vmem>>, vector<16xf32>,
        %get3A_309 = arith.index_cast %add3A_244 : i32 to index
        %get3A_310 = tpu.vector_load %arg6[%get3A_309] {strides = array<i32>} : memref<2000xf32, #tpu.memory_space<vmem>>, vector<16xf32>,
        %max3A_311 = arith.maximumf %get3A_248, %get3A_252 : vector<16xf32>
        %max3A_312 = arith.maximumf %get3A_256, %get3A_260 : vector<16xf32>
        %max3A_313 = arith.maximumf %get3A_264, %get3A_268 : vector<16xf32>
        %max3A_314 = arith.maximumf %get3A_272, %get3A_276 : vector<16xf32>
        %max3A_315 = arith.maximumf %get3A_280, %get3A_284 : vector<16xf32>
        %max3A_316 = arith.maximumf %get3A_288, %get3A_292 : vector<16xf32>
        %max3A_317 = arith.maximumf %get3A_296, %get3A_300 : vector<16xf32>
        %max3A_318 = arith.maximumf %get3A_304, %get3A_308 : vector<16xf32>
        %max3A_319 = arith.maximumf %max3A_311, %max3A_312 : vector<16xf32>
        %max3A_320 = arith.maximumf %max3A_313, %max3A_314 : vector<16xf32>
        %max3A_321 = arith.maximumf %max3A_315, %max3A_316 : vector<16xf32>
        %max3A_322 = arith.maximumf %max3A_317, %max3A_318 : vector<16xf32>
        %max3A_323 = arith.maximumf %max3A_319, %max3A_320 : vector<16xf32>
        %max3A_324 = arith.maximumf %max3A_321, %max3A_322 : vector<16xf32>
        %max3A_325 = arith.maximumf %max3A_323, %max3A_324 : vector<16xf32>
        %max3A_326 = arith.maximumf %max3A_325, %get3A_310 : vector<16xf32>
        %swap3A_327 = arith.index_cast %add3A_244 : i32 to index
        %swap3A_328 = tpu.vector_load %arg6[%swap3A_327] {strides = array<i32>} : memref<2000xf32, #tpu.memory_space<vmem>>, vector<16xf32>,
        tpu.vector_store %arg6[%swap3A_327], %max3A_326 {strides = array<i32>} : memref<2000xf32, #tpu.memory_space<vmem>>, vector<16xf32>,
        %add3A_329 = arith.constant 48 : i32
        %add3A_330 = arith.addi %mul3A_73, %add3A_329 : i32
        %get3A_331 = arith.constant 0 : i32
        %get3A_332 = arith.index_cast %get3A_331 : i32 to index
        %get3A_333 = arith.index_cast %add3A_330 : i32 to index
        %get3A_334 = tpu.vector_load %arg4[%get3A_332, %get3A_333] {strides = array<i32>} : memref<16x2000xf32, #tpu.memory_space<vmem>>, vector<16xf32>,
        %get3A_335 = arith.constant 1 : i32
        %get3A_336 = arith.index_cast %get3A_335 : i32 to index
        %get3A_337 = arith.index_cast %add3A_330 : i32 to index
        %get3A_338 = tpu.vector_load %arg4[%get3A_336, %get3A_337] {strides = array<i32>} : memref<16x2000xf32, #tpu.memory_space<vmem>>, vector<16xf32>,
        %get3A_339 = arith.constant 2 : i32
        %get3A_340 = arith.index_cast %get3A_339 : i32 to index
        %get3A_341 = arith.index_cast %add3A_330 : i32 to index
        %get3A_342 = tpu.vector_load %arg4[%get3A_340, %get3A_341] {strides = array<i32>} : memref<16x2000xf32, #tpu.memory_space<vmem>>, vector<16xf32>,
        %get3A_343 = arith.constant 3 : i32
        %get3A_344 = arith.index_cast %get3A_343 : i32 to index
        %get3A_345 = arith.index_cast %add3A_330 : i32 to index
        %get3A_346 = tpu.vector_load %arg4[%get3A_344, %get3A_345] {strides = array<i32>} : memref<16x2000xf32, #tpu.memory_space<vmem>>, vector<16xf32>,
        %get3A_347 = arith.constant 4 : i32
        %get3A_348 = arith.index_cast %get3A_347 : i32 to index
        %get3A_349 = arith.index_cast %add3A_330 : i32 to index
        %get3A_350 = tpu.vector_load %arg4[%get3A_348, %get3A_349] {strides = array<i32>} : memref<16x2000xf32, #tpu.memory_space<vmem>>, vector<16xf32>,
        %get3A_351 = arith.constant 5 : i32
        %get3A_352 = arith.index_cast %get3A_351 : i32 to index
        %get3A_353 = arith.index_cast %add3A_330 : i32 to index
        %get3A_354 = tpu.vector_load %arg4[%get3A_352, %get3A_353] {strides = array<i32>} : memref<16x2000xf32, #tpu.memory_space<vmem>>, vector<16xf32>,
        %get3A_355 = arith.constant 6 : i32
        %get3A_356 = arith.index_cast %get3A_355 : i32 to index
        %get3A_357 = arith.index_cast %add3A_330 : i32 to index
        %get3A_358 = tpu.vector_load %arg4[%get3A_356, %get3A_357] {strides = array<i32>} : memref<16x2000xf32, #tpu.memory_space<vmem>>, vector<16xf32>,
        %get3A_359 = arith.constant 7 : i32
        %get3A_360 = arith.index_cast %get3A_359 : i32 to index
        %get3A_361 = arith.index_cast %add3A_330 : i32 to index
        %get3A_362 = tpu.vector_load %arg4[%get3A_360, %get3A_361] {strides = array<i32>} : memref<16x2000xf32, #tpu.memory_space<vmem>>, vector<16xf32>,
        %get3A_363 = arith.constant 8 : i32
        %get3A_364 = arith.index_cast %get3A_363 : i32 to index
        %get3A_365 = arith.index_cast %add3A_330 : i32 to index
        %get3A_366 = tpu.vector_load %arg4[%get3A_364, %get3A_365] {strides = array<i32>} : memref<16x2000xf32, #tpu.memory_space<vmem>>, vector<16xf32>,
        %get3A_367 = arith.constant 9 : i32
        %get3A_368 = arith.index_cast %get3A_367 : i32 to index
        %get3A_369 = arith.index_cast %add3A_330 : i32 to index
        %get3A_370 = tpu.vector_load %arg4[%get3A_368, %get3A_369] {strides = array<i32>} : memref<16x2000xf32, #tpu.memory_space<vmem>>, vector<16xf32>,
        %get3A_371 = arith.constant 10 : i32
        %get3A_372 = arith.index_cast %get3A_371 : i32 to index
        %get3A_373 = arith.index_cast %add3A_330 : i32 to index
        %get3A_374 = tpu.vector_load %arg4[%get3A_372, %get3A_373] {strides = array<i32>} : memref<16x2000xf32, #tpu.memory_space<vmem>>, vector<16xf32>,
        %get3A_375 = arith.constant 11 : i32
        %get3A_376 = arith.index_cast %get3A_375 : i32 to index
        %get3A_377 = arith.index_cast %add3A_330 : i32 to index
        %get3A_378 = tpu.vector_load %arg4[%get3A_376, %get3A_377] {strides = array<i32>} : memref<16x2000xf32, #tpu.memory_space<vmem>>, vector<16xf32>,
        %get3A_379 = arith.constant 12 : i32
        %get3A_380 = arith.index_cast %get3A_379 : i32 to index
        %get3A_381 = arith.index_cast %add3A_330 : i32 to index
        %get3A_382 = tpu.vector_load %arg4[%get3A_380, %get3A_381] {strides = array<i32>} : memref<16x2000xf32, #tpu.memory_space<vmem>>, vector<16xf32>,
        %get3A_383 = arith.constant 13 : i32
        %get3A_384 = arith.index_cast %get3A_383 : i32 to index
        %get3A_385 = arith.index_cast %add3A_330 : i32 to index
        %get3A_386 = tpu.vector_load %arg4[%get3A_384, %get3A_385] {strides = array<i32>} : memref<16x2000xf32, #tpu.memory_space<vmem>>, vector<16xf32>,
        %get3A_387 = arith.constant 14 : i32
        %get3A_388 = arith.index_cast %get3A_387 : i32 to index
        %get3A_389 = arith.index_cast %add3A_330 : i32 to index
        %get3A_390 = tpu.vector_load %arg4[%get3A_388, %get3A_389] {strides = array<i32>} : memref<16x2000xf32, #tpu.memory_space<vmem>>, vector<16xf32>,
        %get3A_391 = arith.constant 15 : i32
        %get3A_392 = arith.index_cast %get3A_391 : i32 to index
        %get3A_393 = arith.index_cast %add3A_330 : i32 to index
        %get3A_394 = tpu.vector_load %arg4[%get3A_392, %get3A_393] {strides = array<i32>} : memref<16x2000xf32, #tpu.memory_space<vmem>>, vector<16xf32>,
        %get3A_395 = arith.index_cast %add3A_330 : i32 to index
        %get3A_396 = tpu.vector_load %arg6[%get3A_395] {strides = array<i32>} : memref<2000xf32, #tpu.memory_space<vmem>>, vector<16xf32>,
        %max3A_397 = arith.maximumf %get3A_334, %get3A_338 : vector<16xf32>
        %max3A_398 = arith.maximumf %get3A_342, %get3A_346 : vector<16xf32>
        %max3A_399 = arith.maximumf %get3A_350, %get3A_354 : vector<16xf32>
        %max3A_400 = arith.maximumf %get3A_358, %get3A_362 : vector<16xf32>
        %max3A_401 = arith.maximumf %get3A_366, %get3A_370 : vector<16xf32>
        %max3A_402 = arith.maximumf %get3A_374, %get3A_378 : vector<16xf32>
        %max3A_403 = arith.maximumf %get3A_382, %get3A_386 : vector<16xf32>
        %max3A_404 = arith.maximumf %get3A_390, %get3A_394 : vector<16xf32>
        %max3A_405 = arith.maximumf %max3A_397, %max3A_398 : vector<16xf32>
        %max3A_406 = arith.maximumf %max3A_399, %max3A_400 : vector<16xf32>
        %max3A_407 = arith.maximumf %max3A_401, %max3A_402 : vector<16xf32>
        %max3A_408 = arith.maximumf %max3A_403, %max3A_404 : vector<16xf32>
        %max3A_409 = arith.maximumf %max3A_405, %max3A_406 : vector<16xf32>
        %max3A_410 = arith.maximumf %max3A_407, %max3A_408 : vector<16xf32>
        %max3A_411 = arith.maximumf %max3A_409, %max3A_410 : vector<16xf32>
        %max3A_412 = arith.maximumf %max3A_411, %get3A_396 : vector<16xf32>
        %swap3A_413 = arith.index_cast %add3A_330 : i32 to index
        %swap3A_414 = tpu.vector_load %arg6[%swap3A_413] {strides = array<i32>} : memref<2000xf32, #tpu.memory_space<vmem>>, vector<16xf32>,
        tpu.vector_store %arg6[%swap3A_413], %max3A_412 {strides = array<i32>} : memref<2000xf32, #tpu.memory_space<vmem>>, vector<16xf32>,
        %add3A_415 = arith.constant 64 : i32
        %add3A_416 = arith.addi %mul3A_73, %add3A_415 : i32
        %get3A_417 = arith.constant 0 : i32
        %get3A_418 = arith.index_cast %get3A_417 : i32 to index
        %get3A_419 = arith.index_cast %add3A_416 : i32 to index
        %get3A_420 = tpu.vector_load %arg4[%get3A_418, %get3A_419] {strides = array<i32>} : memref<16x2000xf32, #tpu.memory_space<vmem>>, vector<16xf32>,
        %get3A_421 = arith.constant 1 : i32
        %get3A_422 = arith.index_cast %get3A_421 : i32 to index
        %get3A_423 = arith.index_cast %add3A_416 : i32 to index
        %get3A_424 = tpu.vector_load %arg4[%get3A_422, %get3A_423] {strides = array<i32>} : memref<16x2000xf32, #tpu.memory_space<vmem>>, vector<16xf32>,
        %get3A_425 = arith.constant 2 : i32
        %get3A_426 = arith.index_cast %get3A_425 : i32 to index
        %get3A_427 = arith.index_cast %add3A_416 : i32 to index
        %get3A_428 = tpu.vector_load %arg4[%get3A_426, %get3A_427] {strides = array<i32>} : memref<16x2000xf32, #tpu.memory_space<vmem>>, vector<16xf32>,
        %get3A_429 = arith.constant 3 : i32
        %get3A_430 = arith.index_cast %get3A_429 : i32 to index
        %get3A_431 = arith.index_cast %add3A_416 : i32 to index
        %get3A_432 = tpu.vector_load %arg4[%get3A_430, %get3A_431] {strides = array<i32>} : memref<16x2000xf32, #tpu.memory_space<vmem>>, vector<16xf32>,
        %get3A_433 = arith.constant 4 : i32
        %get3A_434 = arith.index_cast %get3A_433 : i32 to index
        %get3A_435 = arith.index_cast %add3A_416 : i32 to index
        %get3A_436 = tpu.vector_load %arg4[%get3A_434, %get3A_435] {strides = array<i32>} : memref<16x2000xf32, #tpu.memory_space<vmem>>, vector<16xf32>,
        %get3A_437 = arith.constant 5 : i32
        %get3A_438 = arith.index_cast %get3A_437 : i32 to index
        %get3A_439 = arith.index_cast %add3A_416 : i32 to index
        %get3A_440 = tpu.vector_load %arg4[%get3A_438, %get3A_439] {strides = array<i32>} : memref<16x2000xf32, #tpu.memory_space<vmem>>, vector<16xf32>,
        %get3A_441 = arith.constant 6 : i32
        %get3A_442 = arith.index_cast %get3A_441 : i32 to index
        %get3A_443 = arith.index_cast %add3A_416 : i32 to index
        %get3A_444 = tpu.vector_load %arg4[%get3A_442, %get3A_443] {strides = array<i32>} : memref<16x2000xf32, #tpu.memory_space<vmem>>, vector<16xf32>,
        %get3A_445 = arith.constant 7 : i32
        %get3A_446 = arith.index_cast %get3A_445 : i32 to index
        %get3A_447 = arith.index_cast %add3A_416 : i32 to index
        %get3A_448 = tpu.vector_load %arg4[%get3A_446, %get3A_447] {strides = array<i32>} : memref<16x2000xf32, #tpu.memory_space<vmem>>, vector<16xf32>,
        %get3A_449 = arith.constant 8 : i32
        %get3A_450 = arith.index_cast %get3A_449 : i32 to index
        %get3A_451 = arith.index_cast %add3A_416 : i32 to index
        %get3A_452 = tpu.vector_load %arg4[%get3A_450, %get3A_451] {strides = array<i32>} : memref<16x2000xf32, #tpu.memory_space<vmem>>, vector<16xf32>,
        %get3A_453 = arith.constant 9 : i32
        %get3A_454 = arith.index_cast %get3A_453 : i32 to index
        %get3A_455 = arith.index_cast %add3A_416 : i32 to index
        %get3A_456 = tpu.vector_load %arg4[%get3A_454, %get3A_455] {strides = array<i32>} : memref<16x2000xf32, #tpu.memory_space<vmem>>, vector<16xf32>,
        %get3A_457 = arith.constant 10 : i32
        %get3A_458 = arith.index_cast %get3A_457 : i32 to index
        %get3A_459 = arith.index_cast %add3A_416 : i32 to index
        %get3A_460 = tpu.vector_load %arg4[%get3A_458, %get3A_459] {strides = array<i32>} : memref<16x2000xf32, #tpu.memory_space<vmem>>, vector<16xf32>,
        %get3A_461 = arith.constant 11 : i32
        %get3A_462 = arith.index_cast %get3A_461 : i32 to index
        %get3A_463 = arith.index_cast %add3A_416 : i32 to index
        %get3A_464 = tpu.vector_load %arg4[%get3A_462, %get3A_463] {strides = array<i32>} : memref<16x2000xf32, #tpu.memory_space<vmem>>, vector<16xf32>,
        %get3A_465 = arith.constant 12 : i32
        %get3A_466 = arith.index_cast %get3A_465 : i32 to index
        %get3A_467 = arith.index_cast %add3A_416 : i32 to index
        %get3A_468 = tpu.vector_load %arg4[%get3A_466, %get3A_467] {strides = array<i32>} : memref<16x2000xf32, #tpu.memory_space<vmem>>, vector<16xf32>,
        %get3A_469 = arith.constant 13 : i32
        %get3A_470 = arith.index_cast %get3A_469 : i32 to index
        %get3A_471 = arith.index_cast %add3A_416 : i32 to index
        %get3A_472 = tpu.vector_load %arg4[%get3A_470, %get3A_471] {strides = array<i32>} : memref<16x2000xf32, #tpu.memory_space<vmem>>, vector<16xf32>,
        %get3A_473 = arith.constant 14 : i32
        %get3A_474 = arith.index_cast %get3A_473 : i32 to index
        %get3A_475 = arith.index_cast %add3A_416 : i32 to index
        %get3A_476 = tpu.vector_load %arg4[%get3A_474, %get3A_475] {strides = array<i32>} : memref<16x2000xf32, #tpu.memory_space<vmem>>, vector<16xf32>,
        %get3A_477 = arith.constant 15 : i32
        %get3A_478 = arith.index_cast %get3A_477 : i32 to index
        %get3A_479 = arith.index_cast %add3A_416 : i32 to index
        %get3A_480 = tpu.vector_load %arg4[%get3A_478, %get3A_479] {strides = array<i32>} : memref<16x2000xf32, #tpu.memory_space<vmem>>, vector<16xf32>,
        %get3A_481 = arith.index_cast %add3A_416 : i32 to index
        %get3A_482 = tpu.vector_load %arg6[%get3A_481] {strides = array<i32>} : memref<2000xf32, #tpu.memory_space<vmem>>, vector<16xf32>,
        %max3A_483 = arith.maximumf %get3A_420, %get3A_424 : vector<16xf32>
        %max3A_484 = arith.maximumf %get3A_428, %get3A_432 : vector<16xf32>
        %max3A_485 = arith.maximumf %get3A_436, %get3A_440 : vector<16xf32>
        %max3A_486 = arith.maximumf %get3A_444, %get3A_448 : vector<16xf32>
        %max3A_487 = arith.maximumf %get3A_452, %get3A_456 : vector<16xf32>
        %max3A_488 = arith.maximumf %get3A_460, %get3A_464 : vector<16xf32>
        %max3A_489 = arith.maximumf %get3A_468, %get3A_472 : vector<16xf32>
        %max3A_490 = arith.maximumf %get3A_476, %get3A_480 : vector<16xf32>
        %max3A_491 = arith.maximumf %max3A_483, %max3A_484 : vector<16xf32>
        %max3A_492 = arith.maximumf %max3A_485, %max3A_486 : vector<16xf32>
        %max3A_493 = arith.maximumf %max3A_487, %max3A_488 : vector<16xf32>
        %max3A_494 = arith.maximumf %max3A_489, %max3A_490 : vector<16xf32>
        %max3A_495 = arith.maximumf %max3A_491, %max3A_492 : vector<16xf32>
        %max3A_496 = arith.maximumf %max3A_493, %max3A_494 : vector<16xf32>
        %max3A_497 = arith.maximumf %max3A_495, %max3A_496 : vector<16xf32>
        %max3A_498 = arith.maximumf %max3A_497, %get3A_482 : vector<16xf32>
        %swap3A_499 = arith.index_cast %add3A_416 : i32 to index
        %swap3A_500 = tpu.vector_load %arg6[%swap3A_499] {strides = array<i32>} : memref<2000xf32, #tpu.memory_space<vmem>>, vector<16xf32>,
        tpu.vector_store %arg6[%swap3A_499], %max3A_498 {strides = array<i32>} : memref<2000xf32, #tpu.memory_space<vmem>>, vector<16xf32>,
      }
      %scan3A_42 = arith.constant 25 : i32
      %add3A_43 = arith.constant 2 : i32
      %add3A_44 = arith.addi %add3A_32, %add3A_43 : i32
      %lt3A = arith.constant 14 : i32
      %lt3A_45 = arith.cmpi slt, %add3A_44, %lt3A : i32
      %convert_element_type3A = arith.extui %lt3A_45 : i1 to i32
      %cond3A = arith.constant 0 : i32
      %cond3A_46 = arith.cmpi ne, %convert_element_type3A, %cond3A : i32
      scf.if %cond3A_46 {
        %add3A_67 = arith.constant 2 : i32
        %add3A_68 = arith.addi %add3A_32, %add3A_67 : i32
        %mul3A_69 = arith.constant 16 : i32
        %mul3A_70 = arith.muli %add3A_68, %mul3A_69 : i32
        %add3A_71 = arith.addi %mul3A_2, %mul3A_70 : i32
        %dma_start3A_72 = arith.constant 0 : i32
        %dma_start3A_73 = tpu.memref_slice %arg2[%add3A_71, %dma_start3A_72] : memref<18432x2000xf32, #tpu.memory_space<hbm>> -> memref<16x2000xf32, #tpu.memory_space<hbm>>
        %dma_start3A_74 = arith.constant 0 : i32
        %dma_start3A_75 = tpu.memref_slice %arg2[%add3A_71, %dma_start3A_74] : memref<18432x2000xf32, #tpu.memory_space<hbm>> -> memref<16x2000xf32, #tpu.memory_space<hbm>>
        tpu.enqueue_dma source(%dma_start3A_75 : memref<16x2000xf32, #tpu.memory_space<hbm>>) target(%arg4 : memref<16x2000xf32, #tpu.memory_space<vmem>>) target_semaphore(%arg7 : memref<!tpu.dma_semaphore, #tpu.memory_space<semaphore_mem>>)
      } else {
      }
      %add3A_47 = arith.constant 1 : i32
      %add3A_48 = arith.addi %add3A_30, %add3A_47 : i32
      %dma_wait3A_49 = arith.constant 0 : i32
      %dma_wait3A_50 = arith.constant 0 : i32
      %dma_wait3A_51 = tpu.memref_slice %arg2[%dma_wait3A_49, %dma_wait3A_50] : memref<18432x2000xf32, #tpu.memory_space<hbm>> -> memref<16x2000xf32, #tpu.memory_space<hbm>>
      %dma_wait3A_52 = arith.constant 0 : i32
      %dma_wait3A_53 = arith.constant 0 : i32
      %dma_wait3A_54 = tpu.memref_slice %arg2[%dma_wait3A_52, %dma_wait3A_53] : memref<18432x2000xf32, #tpu.memory_space<hbm>> -> memref<16x2000xf32, #tpu.memory_space<hbm>>
      tpu.wait_dma2 semaphore(%arg8 : memref<!tpu.dma_semaphore, #tpu.memory_space<semaphore_mem>>) src(%dma_wait3A_54 : memref<16x2000xf32, #tpu.memory_space<hbm>>) dst(%arg5 : memref<16x2000xf32, #tpu.memory_space<vmem>>)
      %scan3A_55 = arith.constant 0 : i32
      %scan3A_56 = arith.constant 25 : i32
      %scan3A_57 = arith.addi %scan3A_55, %scan3A_56 : i32
      %scan3A_58 = arith.constant 1 : i32
      scf.for %scan3A_67 = %scan3A_55 to %scan3A_57 step %scan3A_58  : i32 {
        %mul3A_68 = arith.constant 1 : i32
        %mul3A_69 = arith.muli %scan3A_67, %mul3A_68 : i32
        %add3A_70 = arith.constant 0 : i32
        %add3A_71 = arith.addi %add3A_70, %mul3A_69 : i32
        %mul3A_72 = arith.constant 80 : i32
        %mul3A_73 = arith.muli %add3A_71, %mul3A_72 : i32
        %add3A_74 = arith.constant 0 : i32
        %add3A_75 = arith.addi %mul3A_73, %add3A_74 : i32
        %get3A = arith.constant 0 : i32
        %get3A_76 = arith.index_cast %get3A : i32 to index
        %get3A_77 = arith.index_cast %add3A_75 : i32 to index
        %get3A_78 = tpu.vector_load %arg5[%get3A_76, %get3A_77] {strides = array<i32>} : memref<16x2000xf32, #tpu.memory_space<vmem>>, vector<16xf32>,
        %get3A_79 = arith.constant 1 : i32
        %get3A_80 = arith.index_cast %get3A_79 : i32 to index
        %get3A_81 = arith.index_cast %add3A_75 : i32 to index
        %get3A_82 = tpu.vector_load %arg5[%get3A_80, %get3A_81] {strides = array<i32>} : memref<16x2000xf32, #tpu.memory_space<vmem>>, vector<16xf32>,
        %get3A_83 = arith.constant 2 : i32
        %get3A_84 = arith.index_cast %get3A_83 : i32 to index
        %get3A_85 = arith.index_cast %add3A_75 : i32 to index
        %get3A_86 = tpu.vector_load %arg5[%get3A_84, %get3A_85] {strides = array<i32>} : memref<16x2000xf32, #tpu.memory_space<vmem>>, vector<16xf32>,
        %get3A_87 = arith.constant 3 : i32
        %get3A_88 = arith.index_cast %get3A_87 : i32 to index
        %get3A_89 = arith.index_cast %add3A_75 : i32 to index
        %get3A_90 = tpu.vector_load %arg5[%get3A_88, %get3A_89] {strides = array<i32>} : memref<16x2000xf32, #tpu.memory_space<vmem>>, vector<16xf32>,
        %get3A_91 = arith.constant 4 : i32
        %get3A_92 = arith.index_cast %get3A_91 : i32 to index
        %get3A_93 = arith.index_cast %add3A_75 : i32 to index
        %get3A_94 = tpu.vector_load %arg5[%get3A_92, %get3A_93] {strides = array<i32>} : memref<16x2000xf32, #tpu.memory_space<vmem>>, vector<16xf32>,
        %get3A_95 = arith.constant 5 : i32
        %get3A_96 = arith.index_cast %get3A_95 : i32 to index
        %get3A_97 = arith.index_cast %add3A_75 : i32 to index
        %get3A_98 = tpu.vector_load %arg5[%get3A_96, %get3A_97] {strides = array<i32>} : memref<16x2000xf32, #tpu.memory_space<vmem>>, vector<16xf32>,
        %get3A_99 = arith.constant 6 : i32
        %get3A_100 = arith.index_cast %get3A_99 : i32 to index
        %get3A_101 = arith.index_cast %add3A_75 : i32 to index
        %get3A_102 = tpu.vector_load %arg5[%get3A_100, %get3A_101] {strides = array<i32>} : memref<16x2000xf32, #tpu.memory_space<vmem>>, vector<16xf32>,
        %get3A_103 = arith.constant 7 : i32
        %get3A_104 = arith.index_cast %get3A_103 : i32 to index
        %get3A_105 = arith.index_cast %add3A_75 : i32 to index
        %get3A_106 = tpu.vector_load %arg5[%get3A_104, %get3A_105] {strides = array<i32>} : memref<16x2000xf32, #tpu.memory_space<vmem>>, vector<16xf32>,
        %get3A_107 = arith.constant 8 : i32
        %get3A_108 = arith.index_cast %get3A_107 : i32 to index
        %get3A_109 = arith.index_cast %add3A_75 : i32 to index
        %get3A_110 = tpu.vector_load %arg5[%get3A_108, %get3A_109] {strides = array<i32>} : memref<16x2000xf32, #tpu.memory_space<vmem>>, vector<16xf32>,
        %get3A_111 = arith.constant 9 : i32
        %get3A_112 = arith.index_cast %get3A_111 : i32 to index
        %get3A_113 = arith.index_cast %add3A_75 : i32 to index
        %get3A_114 = tpu.vector_load %arg5[%get3A_112, %get3A_113] {strides = array<i32>} : memref<16x2000xf32, #tpu.memory_space<vmem>>, vector<16xf32>,
        %get3A_115 = arith.constant 10 : i32
        %get3A_116 = arith.index_cast %get3A_115 : i32 to index
        %get3A_117 = arith.index_cast %add3A_75 : i32 to index
        %get3A_118 = tpu.vector_load %arg5[%get3A_116, %get3A_117] {strides = array<i32>} : memref<16x2000xf32, #tpu.memory_space<vmem>>, vector<16xf32>,
        %get3A_119 = arith.constant 11 : i32
        %get3A_120 = arith.index_cast %get3A_119 : i32 to index
        %get3A_121 = arith.index_cast %add3A_75 : i32 to index
        %get3A_122 = tpu.vector_load %arg5[%get3A_120, %get3A_121] {strides = array<i32>} : memref<16x2000xf32, #tpu.memory_space<vmem>>, vector<16xf32>,
        %get3A_123 = arith.constant 12 : i32
        %get3A_124 = arith.index_cast %get3A_123 : i32 to index
        %get3A_125 = arith.index_cast %add3A_75 : i32 to index
        %get3A_126 = tpu.vector_load %arg5[%get3A_124, %get3A_125] {strides = array<i32>} : memref<16x2000xf32, #tpu.memory_space<vmem>>, vector<16xf32>,
        %get3A_127 = arith.constant 13 : i32
        %get3A_128 = arith.index_cast %get3A_127 : i32 to index
        %get3A_129 = arith.index_cast %add3A_75 : i32 to index
        %get3A_130 = tpu.vector_load %arg5[%get3A_128, %get3A_129] {strides = array<i32>} : memref<16x2000xf32, #tpu.memory_space<vmem>>, vector<16xf32>,
        %get3A_131 = arith.constant 14 : i32
        %get3A_132 = arith.index_cast %get3A_131 : i32 to index
        %get3A_133 = arith.index_cast %add3A_75 : i32 to index
        %get3A_134 = tpu.vector_load %arg5[%get3A_132, %get3A_133] {strides = array<i32>} : memref<16x2000xf32, #tpu.memory_space<vmem>>, vector<16xf32>,
        %get3A_135 = arith.constant 15 : i32
        %get3A_136 = arith.index_cast %get3A_135 : i32 to index
        %get3A_137 = arith.index_cast %add3A_75 : i32 to index
        %get3A_138 = tpu.vector_load %arg5[%get3A_136, %get3A_137] {strides = array<i32>} : memref<16x2000xf32, #tpu.memory_space<vmem>>, vector<16xf32>,
        %get3A_139 = arith.index_cast %add3A_75 : i32 to index
        %get3A_140 = tpu.vector_load %arg6[%get3A_139] {strides = array<i32>} : memref<2000xf32, #tpu.memory_space<vmem>>, vector<16xf32>,
        %max3A = arith.maximumf %get3A_78, %get3A_82 : vector<16xf32>
        %max3A_141 = arith.maximumf %get3A_86, %get3A_90 : vector<16xf32>
        %max3A_142 = arith.maximumf %get3A_94, %get3A_98 : vector<16xf32>
        %max3A_143 = arith.maximumf %get3A_102, %get3A_106 : vector<16xf32>
        %max3A_144 = arith.maximumf %get3A_110, %get3A_114 : vector<16xf32>
        %max3A_145 = arith.maximumf %get3A_118, %get3A_122 : vector<16xf32>
        %max3A_146 = arith.maximumf %get3A_126, %get3A_130 : vector<16xf32>
        %max3A_147 = arith.maximumf %get3A_134, %get3A_138 : vector<16xf32>
        %max3A_148 = arith.maximumf %max3A, %max3A_141 : vector<16xf32>
        %max3A_149 = arith.maximumf %max3A_142, %max3A_143 : vector<16xf32>
        %max3A_150 = arith.maximumf %max3A_144, %max3A_145 : vector<16xf32>
        %max3A_151 = arith.maximumf %max3A_146, %max3A_147 : vector<16xf32>
        %max3A_152 = arith.maximumf %max3A_148, %max3A_149 : vector<16xf32>
        %max3A_153 = arith.maximumf %max3A_150, %max3A_151 : vector<16xf32>
        %max3A_154 = arith.maximumf %max3A_152, %max3A_153 : vector<16xf32>
        %max3A_155 = arith.maximumf %max3A_154, %get3A_140 : vector<16xf32>
        %swap3A = arith.index_cast %add3A_75 : i32 to index
        %swap3A_156 = tpu.vector_load %arg6[%swap3A] {strides = array<i32>} : memref<2000xf32, #tpu.memory_space<vmem>>, vector<16xf32>,
        tpu.vector_store %arg6[%swap3A], %max3A_155 {strides = array<i32>} : memref<2000xf32, #tpu.memory_space<vmem>>, vector<16xf32>,
        %add3A_157 = arith.constant 16 : i32
        %add3A_158 = arith.addi %mul3A_73, %add3A_157 : i32
        %get3A_159 = arith.constant 0 : i32
        %get3A_160 = arith.index_cast %get3A_159 : i32 to index
        %get3A_161 = arith.index_cast %add3A_158 : i32 to index
        %get3A_162 = tpu.vector_load %arg5[%get3A_160, %get3A_161] {strides = array<i32>} : memref<16x2000xf32, #tpu.memory_space<vmem>>, vector<16xf32>,
        %get3A_163 = arith.constant 1 : i32
        %get3A_164 = arith.index_cast %get3A_163 : i32 to index
        %get3A_165 = arith.index_cast %add3A_158 : i32 to index
        %get3A_166 = tpu.vector_load %arg5[%get3A_164, %get3A_165] {strides = array<i32>} : memref<16x2000xf32, #tpu.memory_space<vmem>>, vector<16xf32>,
        %get3A_167 = arith.constant 2 : i32
        %get3A_168 = arith.index_cast %get3A_167 : i32 to index
        %get3A_169 = arith.index_cast %add3A_158 : i32 to index
        %get3A_170 = tpu.vector_load %arg5[%get3A_168, %get3A_169] {strides = array<i32>} : memref<16x2000xf32, #tpu.memory_space<vmem>>, vector<16xf32>,
        %get3A_171 = arith.constant 3 : i32
        %get3A_172 = arith.index_cast %get3A_171 : i32 to index
        %get3A_173 = arith.index_cast %add3A_158 : i32 to index
        %get3A_174 = tpu.vector_load %arg5[%get3A_172, %get3A_173] {strides = array<i32>} : memref<16x2000xf32, #tpu.memory_space<vmem>>, vector<16xf32>,
        %get3A_175 = arith.constant 4 : i32
        %get3A_176 = arith.index_cast %get3A_175 : i32 to index
        %get3A_177 = arith.index_cast %add3A_158 : i32 to index
        %get3A_178 = tpu.vector_load %arg5[%get3A_176, %get3A_177] {strides = array<i32>} : memref<16x2000xf32, #tpu.memory_space<vmem>>, vector<16xf32>,
        %get3A_179 = arith.constant 5 : i32
        %get3A_180 = arith.index_cast %get3A_179 : i32 to index
        %get3A_181 = arith.index_cast %add3A_158 : i32 to index
        %get3A_182 = tpu.vector_load %arg5[%get3A_180, %get3A_181] {strides = array<i32>} : memref<16x2000xf32, #tpu.memory_space<vmem>>, vector<16xf32>,
        %get3A_183 = arith.constant 6 : i32
        %get3A_184 = arith.index_cast %get3A_183 : i32 to index
        %get3A_185 = arith.index_cast %add3A_158 : i32 to index
        %get3A_186 = tpu.vector_load %arg5[%get3A_184, %get3A_185] {strides = array<i32>} : memref<16x2000xf32, #tpu.memory_space<vmem>>, vector<16xf32>,
        %get3A_187 = arith.constant 7 : i32
        %get3A_188 = arith.index_cast %get3A_187 : i32 to index
        %get3A_189 = arith.index_cast %add3A_158 : i32 to index
        %get3A_190 = tpu.vector_load %arg5[%get3A_188, %get3A_189] {strides = array<i32>} : memref<16x2000xf32, #tpu.memory_space<vmem>>, vector<16xf32>,
        %get3A_191 = arith.constant 8 : i32
        %get3A_192 = arith.index_cast %get3A_191 : i32 to index
        %get3A_193 = arith.index_cast %add3A_158 : i32 to index
        %get3A_194 = tpu.vector_load %arg5[%get3A_192, %get3A_193] {strides = array<i32>} : memref<16x2000xf32, #tpu.memory_space<vmem>>, vector<16xf32>,
        %get3A_195 = arith.constant 9 : i32
        %get3A_196 = arith.index_cast %get3A_195 : i32 to index
        %get3A_197 = arith.index_cast %add3A_158 : i32 to index
        %get3A_198 = tpu.vector_load %arg5[%get3A_196, %get3A_197] {strides = array<i32>} : memref<16x2000xf32, #tpu.memory_space<vmem>>, vector<16xf32>,
        %get3A_199 = arith.constant 10 : i32
        %get3A_200 = arith.index_cast %get3A_199 : i32 to index
        %get3A_201 = arith.index_cast %add3A_158 : i32 to index
        %get3A_202 = tpu.vector_load %arg5[%get3A_200, %get3A_201] {strides = array<i32>} : memref<16x2000xf32, #tpu.memory_space<vmem>>, vector<16xf32>,
        %get3A_203 = arith.constant 11 : i32
        %get3A_204 = arith.index_cast %get3A_203 : i32 to index
        %get3A_205 = arith.index_cast %add3A_158 : i32 to index
        %get3A_206 = tpu.vector_load %arg5[%get3A_204, %get3A_205] {strides = array<i32>} : memref<16x2000xf32, #tpu.memory_space<vmem>>, vector<16xf32>,
        %get3A_207 = arith.constant 12 : i32
        %get3A_208 = arith.index_cast %get3A_207 : i32 to index
        %get3A_209 = arith.index_cast %add3A_158 : i32 to index
        %get3A_210 = tpu.vector_load %arg5[%get3A_208, %get3A_209] {strides = array<i32>} : memref<16x2000xf32, #tpu.memory_space<vmem>>, vector<16xf32>,
        %get3A_211 = arith.constant 13 : i32
        %get3A_212 = arith.index_cast %get3A_211 : i32 to index
        %get3A_213 = arith.index_cast %add3A_158 : i32 to index
        %get3A_214 = tpu.vector_load %arg5[%get3A_212, %get3A_213] {strides = array<i32>} : memref<16x2000xf32, #tpu.memory_space<vmem>>, vector<16xf32>,
        %get3A_215 = arith.constant 14 : i32
        %get3A_216 = arith.index_cast %get3A_215 : i32 to index
        %get3A_217 = arith.index_cast %add3A_158 : i32 to index
        %get3A_218 = tpu.vector_load %arg5[%get3A_216, %get3A_217] {strides = array<i32>} : memref<16x2000xf32, #tpu.memory_space<vmem>>, vector<16xf32>,
        %get3A_219 = arith.constant 15 : i32
        %get3A_220 = arith.index_cast %get3A_219 : i32 to index
        %get3A_221 = arith.index_cast %add3A_158 : i32 to index
        %get3A_222 = tpu.vector_load %arg5[%get3A_220, %get3A_221] {strides = array<i32>} : memref<16x2000xf32, #tpu.memory_space<vmem>>, vector<16xf32>,
        %get3A_223 = arith.index_cast %add3A_158 : i32 to index
        %get3A_224 = tpu.vector_load %arg6[%get3A_223] {strides = array<i32>} : memref<2000xf32, #tpu.memory_space<vmem>>, vector<16xf32>,
        %max3A_225 = arith.maximumf %get3A_162, %get3A_166 : vector<16xf32>
        %max3A_226 = arith.maximumf %get3A_170, %get3A_174 : vector<16xf32>
        %max3A_227 = arith.maximumf %get3A_178, %get3A_182 : vector<16xf32>
        %max3A_228 = arith.maximumf %get3A_186, %get3A_190 : vector<16xf32>
        %max3A_229 = arith.maximumf %get3A_194, %get3A_198 : vector<16xf32>
        %max3A_230 = arith.maximumf %get3A_202, %get3A_206 : vector<16xf32>
        %max3A_231 = arith.maximumf %get3A_210, %get3A_214 : vector<16xf32>
        %max3A_232 = arith.maximumf %get3A_218, %get3A_222 : vector<16xf32>
        %max3A_233 = arith.maximumf %max3A_225, %max3A_226 : vector<16xf32>
        %max3A_234 = arith.maximumf %max3A_227, %max3A_228 : vector<16xf32>
        %max3A_235 = arith.maximumf %max3A_229, %max3A_230 : vector<16xf32>
        %max3A_236 = arith.maximumf %max3A_231, %max3A_232 : vector<16xf32>
        %max3A_237 = arith.maximumf %max3A_233, %max3A_234 : vector<16xf32>
        %max3A_238 = arith.maximumf %max3A_235, %max3A_236 : vector<16xf32>
        %max3A_239 = arith.maximumf %max3A_237, %max3A_238 : vector<16xf32>
        %max3A_240 = arith.maximumf %max3A_239, %get3A_224 : vector<16xf32>
        %swap3A_241 = arith.index_cast %add3A_158 : i32 to index
        %swap3A_242 = tpu.vector_load %arg6[%swap3A_241] {strides = array<i32>} : memref<2000xf32, #tpu.memory_space<vmem>>, vector<16xf32>,
        tpu.vector_store %arg6[%swap3A_241], %max3A_240 {strides = array<i32>} : memref<2000xf32, #tpu.memory_space<vmem>>, vector<16xf32>,
        %add3A_243 = arith.constant 32 : i32
        %add3A_244 = arith.addi %mul3A_73, %add3A_243 : i32
        %get3A_245 = arith.constant 0 : i32
        %get3A_246 = arith.index_cast %get3A_245 : i32 to index
        %get3A_247 = arith.index_cast %add3A_244 : i32 to index
        %get3A_248 = tpu.vector_load %arg5[%get3A_246, %get3A_247] {strides = array<i32>} : memref<16x2000xf32, #tpu.memory_space<vmem>>, vector<16xf32>,
        %get3A_249 = arith.constant 1 : i32
        %get3A_250 = arith.index_cast %get3A_249 : i32 to index
        %get3A_251 = arith.index_cast %add3A_244 : i32 to index
        %get3A_252 = tpu.vector_load %arg5[%get3A_250, %get3A_251] {strides = array<i32>} : memref<16x2000xf32, #tpu.memory_space<vmem>>, vector<16xf32>,
        %get3A_253 = arith.constant 2 : i32
        %get3A_254 = arith.index_cast %get3A_253 : i32 to index
        %get3A_255 = arith.index_cast %add3A_244 : i32 to index
        %get3A_256 = tpu.vector_load %arg5[%get3A_254, %get3A_255] {strides = array<i32>} : memref<16x2000xf32, #tpu.memory_space<vmem>>, vector<16xf32>,
        %get3A_257 = arith.constant 3 : i32
        %get3A_258 = arith.index_cast %get3A_257 : i32 to index
        %get3A_259 = arith.index_cast %add3A_244 : i32 to index
        %get3A_260 = tpu.vector_load %arg5[%get3A_258, %get3A_259] {strides = array<i32>} : memref<16x2000xf32, #tpu.memory_space<vmem>>, vector<16xf32>,
        %get3A_261 = arith.constant 4 : i32
        %get3A_262 = arith.index_cast %get3A_261 : i32 to index
        %get3A_263 = arith.index_cast %add3A_244 : i32 to index
        %get3A_264 = tpu.vector_load %arg5[%get3A_262, %get3A_263] {strides = array<i32>} : memref<16x2000xf32, #tpu.memory_space<vmem>>, vector<16xf32>,
        %get3A_265 = arith.constant 5 : i32
        %get3A_266 = arith.index_cast %get3A_265 : i32 to index
        %get3A_267 = arith.index_cast %add3A_244 : i32 to index
        %get3A_268 = tpu.vector_load %arg5[%get3A_266, %get3A_267] {strides = array<i32>} : memref<16x2000xf32, #tpu.memory_space<vmem>>, vector<16xf32>,
        %get3A_269 = arith.constant 6 : i32
        %get3A_270 = arith.index_cast %get3A_269 : i32 to index
        %get3A_271 = arith.index_cast %add3A_244 : i32 to index
        %get3A_272 = tpu.vector_load %arg5[%get3A_270, %get3A_271] {strides = array<i32>} : memref<16x2000xf32, #tpu.memory_space<vmem>>, vector<16xf32>,
        %get3A_273 = arith.constant 7 : i32
        %get3A_274 = arith.index_cast %get3A_273 : i32 to index
        %get3A_275 = arith.index_cast %add3A_244 : i32 to index
        %get3A_276 = tpu.vector_load %arg5[%get3A_274, %get3A_275] {strides = array<i32>} : memref<16x2000xf32, #tpu.memory_space<vmem>>, vector<16xf32>,
        %get3A_277 = arith.constant 8 : i32
        %get3A_278 = arith.index_cast %get3A_277 : i32 to index
        %get3A_279 = arith.index_cast %add3A_244 : i32 to index
        %get3A_280 = tpu.vector_load %arg5[%get3A_278, %get3A_279] {strides = array<i32>} : memref<16x2000xf32, #tpu.memory_space<vmem>>, vector<16xf32>,
        %get3A_281 = arith.constant 9 : i32
        %get3A_282 = arith.index_cast %get3A_281 : i32 to index
        %get3A_283 = arith.index_cast %add3A_244 : i32 to index
        %get3A_284 = tpu.vector_load %arg5[%get3A_282, %get3A_283] {strides = array<i32>} : memref<16x2000xf32, #tpu.memory_space<vmem>>, vector<16xf32>,
        %get3A_285 = arith.constant 10 : i32
        %get3A_286 = arith.index_cast %get3A_285 : i32 to index
        %get3A_287 = arith.index_cast %add3A_244 : i32 to index
        %get3A_288 = tpu.vector_load %arg5[%get3A_286, %get3A_287] {strides = array<i32>} : memref<16x2000xf32, #tpu.memory_space<vmem>>, vector<16xf32>,
        %get3A_289 = arith.constant 11 : i32
        %get3A_290 = arith.index_cast %get3A_289 : i32 to index
        %get3A_291 = arith.index_cast %add3A_244 : i32 to index
        %get3A_292 = tpu.vector_load %arg5[%get3A_290, %get3A_291] {strides = array<i32>} : memref<16x2000xf32, #tpu.memory_space<vmem>>, vector<16xf32>,
        %get3A_293 = arith.constant 12 : i32
        %get3A_294 = arith.index_cast %get3A_293 : i32 to index
        %get3A_295 = arith.index_cast %add3A_244 : i32 to index
        %get3A_296 = tpu.vector_load %arg5[%get3A_294, %get3A_295] {strides = array<i32>} : memref<16x2000xf32, #tpu.memory_space<vmem>>, vector<16xf32>,
        %get3A_297 = arith.constant 13 : i32
        %get3A_298 = arith.index_cast %get3A_297 : i32 to index
        %get3A_299 = arith.index_cast %add3A_244 : i32 to index
        %get3A_300 = tpu.vector_load %arg5[%get3A_298, %get3A_299] {strides = array<i32>} : memref<16x2000xf32, #tpu.memory_space<vmem>>, vector<16xf32>,
        %get3A_301 = arith.constant 14 : i32
        %get3A_302 = arith.index_cast %get3A_301 : i32 to index
        %get3A_303 = arith.index_cast %add3A_244 : i32 to index
        %get3A_304 = tpu.vector_load %arg5[%get3A_302, %get3A_303] {strides = array<i32>} : memref<16x2000xf32, #tpu.memory_space<vmem>>, vector<16xf32>,
        %get3A_305 = arith.constant 15 : i32
        %get3A_306 = arith.index_cast %get3A_305 : i32 to index
        %get3A_307 = arith.index_cast %add3A_244 : i32 to index
        %get3A_308 = tpu.vector_load %arg5[%get3A_306, %get3A_307] {strides = array<i32>} : memref<16x2000xf32, #tpu.memory_space<vmem>>, vector<16xf32>,
        %get3A_309 = arith.index_cast %add3A_244 : i32 to index
        %get3A_310 = tpu.vector_load %arg6[%get3A_309] {strides = array<i32>} : memref<2000xf32, #tpu.memory_space<vmem>>, vector<16xf32>,
        %max3A_311 = arith.maximumf %get3A_248, %get3A_252 : vector<16xf32>
        %max3A_312 = arith.maximumf %get3A_256, %get3A_260 : vector<16xf32>
        %max3A_313 = arith.maximumf %get3A_264, %get3A_268 : vector<16xf32>
        %max3A_314 = arith.maximumf %get3A_272, %get3A_276 : vector<16xf32>
        %max3A_315 = arith.maximumf %get3A_280, %get3A_284 : vector<16xf32>
        %max3A_316 = arith.maximumf %get3A_288, %get3A_292 : vector<16xf32>
        %max3A_317 = arith.maximumf %get3A_296, %get3A_300 : vector<16xf32>
        %max3A_318 = arith.maximumf %get3A_304, %get3A_308 : vector<16xf32>
        %max3A_319 = arith.maximumf %max3A_311, %max3A_312 : vector<16xf32>
        %max3A_320 = arith.maximumf %max3A_313, %max3A_314 : vector<16xf32>
        %max3A_321 = arith.maximumf %max3A_315, %max3A_316 : vector<16xf32>
        %max3A_322 = arith.maximumf %max3A_317, %max3A_318 : vector<16xf32>
        %max3A_323 = arith.maximumf %max3A_319, %max3A_320 : vector<16xf32>
        %max3A_324 = arith.maximumf %max3A_321, %max3A_322 : vector<16xf32>
        %max3A_325 = arith.maximumf %max3A_323, %max3A_324 : vector<16xf32>
        %max3A_326 = arith.maximumf %max3A_325, %get3A_310 : vector<16xf32>
        %swap3A_327 = arith.index_cast %add3A_244 : i32 to index
        %swap3A_328 = tpu.vector_load %arg6[%swap3A_327] {strides = array<i32>} : memref<2000xf32, #tpu.memory_space<vmem>>, vector<16xf32>,
        tpu.vector_store %arg6[%swap3A_327], %max3A_326 {strides = array<i32>} : memref<2000xf32, #tpu.memory_space<vmem>>, vector<16xf32>,
        %add3A_329 = arith.constant 48 : i32
        %add3A_330 = arith.addi %mul3A_73, %add3A_329 : i32
        %get3A_331 = arith.constant 0 : i32
        %get3A_332 = arith.index_cast %get3A_331 : i32 to index
        %get3A_333 = arith.index_cast %add3A_330 : i32 to index
        %get3A_334 = tpu.vector_load %arg5[%get3A_332, %get3A_333] {strides = array<i32>} : memref<16x2000xf32, #tpu.memory_space<vmem>>, vector<16xf32>,
        %get3A_335 = arith.constant 1 : i32
        %get3A_336 = arith.index_cast %get3A_335 : i32 to index
        %get3A_337 = arith.index_cast %add3A_330 : i32 to index
        %get3A_338 = tpu.vector_load %arg5[%get3A_336, %get3A_337] {strides = array<i32>} : memref<16x2000xf32, #tpu.memory_space<vmem>>, vector<16xf32>,
        %get3A_339 = arith.constant 2 : i32
        %get3A_340 = arith.index_cast %get3A_339 : i32 to index
        %get3A_341 = arith.index_cast %add3A_330 : i32 to index
        %get3A_342 = tpu.vector_load %arg5[%get3A_340, %get3A_341] {strides = array<i32>} : memref<16x2000xf32, #tpu.memory_space<vmem>>, vector<16xf32>,
        %get3A_343 = arith.constant 3 : i32
        %get3A_344 = arith.index_cast %get3A_343 : i32 to index
        %get3A_345 = arith.index_cast %add3A_330 : i32 to index
        %get3A_346 = tpu.vector_load %arg5[%get3A_344, %get3A_345] {strides = array<i32>} : memref<16x2000xf32, #tpu.memory_space<vmem>>, vector<16xf32>,
        %get3A_347 = arith.constant 4 : i32
        %get3A_348 = arith.index_cast %get3A_347 : i32 to index
        %get3A_349 = arith.index_cast %add3A_330 : i32 to index
        %get3A_350 = tpu.vector_load %arg5[%get3A_348, %get3A_349] {strides = array<i32>} : memref<16x2000xf32, #tpu.memory_space<vmem>>, vector<16xf32>,
        %get3A_351 = arith.constant 5 : i32
        %get3A_352 = arith.index_cast %get3A_351 : i32 to index
        %get3A_353 = arith.index_cast %add3A_330 : i32 to index
        %get3A_354 = tpu.vector_load %arg5[%get3A_352, %get3A_353] {strides = array<i32>} : memref<16x2000xf32, #tpu.memory_space<vmem>>, vector<16xf32>,
        %get3A_355 = arith.constant 6 : i32
        %get3A_356 = arith.index_cast %get3A_355 : i32 to index
        %get3A_357 = arith.index_cast %add3A_330 : i32 to index
        %get3A_358 = tpu.vector_load %arg5[%get3A_356, %get3A_357] {strides = array<i32>} : memref<16x2000xf32, #tpu.memory_space<vmem>>, vector<16xf32>,
        %get3A_359 = arith.constant 7 : i32
        %get3A_360 = arith.index_cast %get3A_359 : i32 to index
        %get3A_361 = arith.index_cast %add3A_330 : i32 to index
        %get3A_362 = tpu.vector_load %arg5[%get3A_360, %get3A_361] {strides = array<i32>} : memref<16x2000xf32, #tpu.memory_space<vmem>>, vector<16xf32>,
        %get3A_363 = arith.constant 8 : i32
        %get3A_364 = arith.index_cast %get3A_363 : i32 to index
        %get3A_365 = arith.index_cast %add3A_330 : i32 to index
        %get3A_366 = tpu.vector_load %arg5[%get3A_364, %get3A_365] {strides = array<i32>} : memref<16x2000xf32, #tpu.memory_space<vmem>>, vector<16xf32>,
        %get3A_367 = arith.constant 9 : i32
        %get3A_368 = arith.index_cast %get3A_367 : i32 to index
        %get3A_369 = arith.index_cast %add3A_330 : i32 to index
        %get3A_370 = tpu.vector_load %arg5[%get3A_368, %get3A_369] {strides = array<i32>} : memref<16x2000xf32, #tpu.memory_space<vmem>>, vector<16xf32>,
        %get3A_371 = arith.constant 10 : i32
        %get3A_372 = arith.index_cast %get3A_371 : i32 to index
        %get3A_373 = arith.index_cast %add3A_330 : i32 to index
        %get3A_374 = tpu.vector_load %arg5[%get3A_372, %get3A_373] {strides = array<i32>} : memref<16x2000xf32, #tpu.memory_space<vmem>>, vector<16xf32>,
        %get3A_375 = arith.constant 11 : i32
        %get3A_376 = arith.index_cast %get3A_375 : i32 to index
        %get3A_377 = arith.index_cast %add3A_330 : i32 to index
        %get3A_378 = tpu.vector_load %arg5[%get3A_376, %get3A_377] {strides = array<i32>} : memref<16x2000xf32, #tpu.memory_space<vmem>>, vector<16xf32>,
        %get3A_379 = arith.constant 12 : i32
        %get3A_380 = arith.index_cast %get3A_379 : i32 to index
        %get3A_381 = arith.index_cast %add3A_330 : i32 to index
        %get3A_382 = tpu.vector_load %arg5[%get3A_380, %get3A_381] {strides = array<i32>} : memref<16x2000xf32, #tpu.memory_space<vmem>>, vector<16xf32>,
        %get3A_383 = arith.constant 13 : i32
        %get3A_384 = arith.index_cast %get3A_383 : i32 to index
        %get3A_385 = arith.index_cast %add3A_330 : i32 to index
        %get3A_386 = tpu.vector_load %arg5[%get3A_384, %get3A_385] {strides = array<i32>} : memref<16x2000xf32, #tpu.memory_space<vmem>>, vector<16xf32>,
        %get3A_387 = arith.constant 14 : i32
        %get3A_388 = arith.index_cast %get3A_387 : i32 to index
        %get3A_389 = arith.index_cast %add3A_330 : i32 to index
        %get3A_390 = tpu.vector_load %arg5[%get3A_388, %get3A_389] {strides = array<i32>} : memref<16x2000xf32, #tpu.memory_space<vmem>>, vector<16xf32>,
        %get3A_391 = arith.constant 15 : i32
        %get3A_392 = arith.index_cast %get3A_391 : i32 to index
        %get3A_393 = arith.index_cast %add3A_330 : i32 to index
        %get3A_394 = tpu.vector_load %arg5[%get3A_392, %get3A_393] {strides = array<i32>} : memref<16x2000xf32, #tpu.memory_space<vmem>>, vector<16xf32>,
        %get3A_395 = arith.index_cast %add3A_330 : i32 to index
        %get3A_396 = tpu.vector_load %arg6[%get3A_395] {strides = array<i32>} : memref<2000xf32, #tpu.memory_space<vmem>>, vector<16xf32>,
        %max3A_397 = arith.maximumf %get3A_334, %get3A_338 : vector<16xf32>
        %max3A_398 = arith.maximumf %get3A_342, %get3A_346 : vector<16xf32>
        %max3A_399 = arith.maximumf %get3A_350, %get3A_354 : vector<16xf32>
        %max3A_400 = arith.maximumf %get3A_358, %get3A_362 : vector<16xf32>
        %max3A_401 = arith.maximumf %get3A_366, %get3A_370 : vector<16xf32>
        %max3A_402 = arith.maximumf %get3A_374, %get3A_378 : vector<16xf32>
        %max3A_403 = arith.maximumf %get3A_382, %get3A_386 : vector<16xf32>
        %max3A_404 = arith.maximumf %get3A_390, %get3A_394 : vector<16xf32>
        %max3A_405 = arith.maximumf %max3A_397, %max3A_398 : vector<16xf32>
        %max3A_406 = arith.maximumf %max3A_399, %max3A_400 : vector<16xf32>
        %max3A_407 = arith.maximumf %max3A_401, %max3A_402 : vector<16xf32>
        %max3A_408 = arith.maximumf %max3A_403, %max3A_404 : vector<16xf32>
        %max3A_409 = arith.maximumf %max3A_405, %max3A_406 : vector<16xf32>
        %max3A_410 = arith.maximumf %max3A_407, %max3A_408 : vector<16xf32>
        %max3A_411 = arith.maximumf %max3A_409, %max3A_410 : vector<16xf32>
        %max3A_412 = arith.maximumf %max3A_411, %get3A_396 : vector<16xf32>
        %swap3A_413 = arith.index_cast %add3A_330 : i32 to index
        %swap3A_414 = tpu.vector_load %arg6[%swap3A_413] {strides = array<i32>} : memref<2000xf32, #tpu.memory_space<vmem>>, vector<16xf32>,
        tpu.vector_store %arg6[%swap3A_413], %max3A_412 {strides = array<i32>} : memref<2000xf32, #tpu.memory_space<vmem>>, vector<16xf32>,
        %add3A_415 = arith.constant 64 : i32
        %add3A_416 = arith.addi %mul3A_73, %add3A_415 : i32
        %get3A_417 = arith.constant 0 : i32
        %get3A_418 = arith.index_cast %get3A_417 : i32 to index
        %get3A_419 = arith.index_cast %add3A_416 : i32 to index
        %get3A_420 = tpu.vector_load %arg5[%get3A_418, %get3A_419] {strides = array<i32>} : memref<16x2000xf32, #tpu.memory_space<vmem>>, vector<16xf32>,
        %get3A_421 = arith.constant 1 : i32
        %get3A_422 = arith.index_cast %get3A_421 : i32 to index
        %get3A_423 = arith.index_cast %add3A_416 : i32 to index
        %get3A_424 = tpu.vector_load %arg5[%get3A_422, %get3A_423] {strides = array<i32>} : memref<16x2000xf32, #tpu.memory_space<vmem>>, vector<16xf32>,
        %get3A_425 = arith.constant 2 : i32
        %get3A_426 = arith.index_cast %get3A_425 : i32 to index
        %get3A_427 = arith.index_cast %add3A_416 : i32 to index
        %get3A_428 = tpu.vector_load %arg5[%get3A_426, %get3A_427] {strides = array<i32>} : memref<16x2000xf32, #tpu.memory_space<vmem>>, vector<16xf32>,
        %get3A_429 = arith.constant 3 : i32
        %get3A_430 = arith.index_cast %get3A_429 : i32 to index
        %get3A_431 = arith.index_cast %add3A_416 : i32 to index
        %get3A_432 = tpu.vector_load %arg5[%get3A_430, %get3A_431] {strides = array<i32>} : memref<16x2000xf32, #tpu.memory_space<vmem>>, vector<16xf32>,
        %get3A_433 = arith.constant 4 : i32
        %get3A_434 = arith.index_cast %get3A_433 : i32 to index
        %get3A_435 = arith.index_cast %add3A_416 : i32 to index
        %get3A_436 = tpu.vector_load %arg5[%get3A_434, %get3A_435] {strides = array<i32>} : memref<16x2000xf32, #tpu.memory_space<vmem>>, vector<16xf32>,
        %get3A_437 = arith.constant 5 : i32
        %get3A_438 = arith.index_cast %get3A_437 : i32 to index
        %get3A_439 = arith.index_cast %add3A_416 : i32 to index
        %get3A_440 = tpu.vector_load %arg5[%get3A_438, %get3A_439] {strides = array<i32>} : memref<16x2000xf32, #tpu.memory_space<vmem>>, vector<16xf32>,
        %get3A_441 = arith.constant 6 : i32
        %get3A_442 = arith.index_cast %get3A_441 : i32 to index
        %get3A_443 = arith.index_cast %add3A_416 : i32 to index
        %get3A_444 = tpu.vector_load %arg5[%get3A_442, %get3A_443] {strides = array<i32>} : memref<16x2000xf32, #tpu.memory_space<vmem>>, vector<16xf32>,
        %get3A_445 = arith.constant 7 : i32
        %get3A_446 = arith.index_cast %get3A_445 : i32 to index
        %get3A_447 = arith.index_cast %add3A_416 : i32 to index
        %get3A_448 = tpu.vector_load %arg5[%get3A_446, %get3A_447] {strides = array<i32>} : memref<16x2000xf32, #tpu.memory_space<vmem>>, vector<16xf32>,
        %get3A_449 = arith.constant 8 : i32
        %get3A_450 = arith.index_cast %get3A_449 : i32 to index
        %get3A_451 = arith.index_cast %add3A_416 : i32 to index
        %get3A_452 = tpu.vector_load %arg5[%get3A_450, %get3A_451] {strides = array<i32>} : memref<16x2000xf32, #tpu.memory_space<vmem>>, vector<16xf32>,
        %get3A_453 = arith.constant 9 : i32
        %get3A_454 = arith.index_cast %get3A_453 : i32 to index
        %get3A_455 = arith.index_cast %add3A_416 : i32 to index
        %get3A_456 = tpu.vector_load %arg5[%get3A_454, %get3A_455] {strides = array<i32>} : memref<16x2000xf32, #tpu.memory_space<vmem>>, vector<16xf32>,
        %get3A_457 = arith.constant 10 : i32
        %get3A_458 = arith.index_cast %get3A_457 : i32 to index
        %get3A_459 = arith.index_cast %add3A_416 : i32 to index
        %get3A_460 = tpu.vector_load %arg5[%get3A_458, %get3A_459] {strides = array<i32>} : memref<16x2000xf32, #tpu.memory_space<vmem>>, vector<16xf32>,
        %get3A_461 = arith.constant 11 : i32
        %get3A_462 = arith.index_cast %get3A_461 : i32 to index
        %get3A_463 = arith.index_cast %add3A_416 : i32 to index
        %get3A_464 = tpu.vector_load %arg5[%get3A_462, %get3A_463] {strides = array<i32>} : memref<16x2000xf32, #tpu.memory_space<vmem>>, vector<16xf32>,
        %get3A_465 = arith.constant 12 : i32
        %get3A_466 = arith.index_cast %get3A_465 : i32 to index
        %get3A_467 = arith.index_cast %add3A_416 : i32 to index
        %get3A_468 = tpu.vector_load %arg5[%get3A_466, %get3A_467] {strides = array<i32>} : memref<16x2000xf32, #tpu.memory_space<vmem>>, vector<16xf32>,
        %get3A_469 = arith.constant 13 : i32
        %get3A_470 = arith.index_cast %get3A_469 : i32 to index
        %get3A_471 = arith.index_cast %add3A_416 : i32 to index
        %get3A_472 = tpu.vector_load %arg5[%get3A_470, %get3A_471] {strides = array<i32>} : memref<16x2000xf32, #tpu.memory_space<vmem>>, vector<16xf32>,
        %get3A_473 = arith.constant 14 : i32
        %get3A_474 = arith.index_cast %get3A_473 : i32 to index
        %get3A_475 = arith.index_cast %add3A_416 : i32 to index
        %get3A_476 = tpu.vector_load %arg5[%get3A_474, %get3A_475] {strides = array<i32>} : memref<16x2000xf32, #tpu.memory_space<vmem>>, vector<16xf32>,
        %get3A_477 = arith.constant 15 : i32
        %get3A_478 = arith.index_cast %get3A_477 : i32 to index
        %get3A_479 = arith.index_cast %add3A_416 : i32 to index
        %get3A_480 = tpu.vector_load %arg5[%get3A_478, %get3A_479] {strides = array<i32>} : memref<16x2000xf32, #tpu.memory_space<vmem>>, vector<16xf32>,
        %get3A_481 = arith.index_cast %add3A_416 : i32 to index
        %get3A_482 = tpu.vector_load %arg6[%get3A_481] {strides = array<i32>} : memref<2000xf32, #tpu.memory_space<vmem>>, vector<16xf32>,
        %max3A_483 = arith.maximumf %get3A_420, %get3A_424 : vector<16xf32>
        %max3A_484 = arith.maximumf %get3A_428, %get3A_432 : vector<16xf32>
        %max3A_485 = arith.maximumf %get3A_436, %get3A_440 : vector<16xf32>
        %max3A_486 = arith.maximumf %get3A_444, %get3A_448 : vector<16xf32>
        %max3A_487 = arith.maximumf %get3A_452, %get3A_456 : vector<16xf32>
        %max3A_488 = arith.maximumf %get3A_460, %get3A_464 : vector<16xf32>
        %max3A_489 = arith.maximumf %get3A_468, %get3A_472 : vector<16xf32>
        %max3A_490 = arith.maximumf %get3A_476, %get3A_480 : vector<16xf32>
        %max3A_491 = arith.maximumf %max3A_483, %max3A_484 : vector<16xf32>
        %max3A_492 = arith.maximumf %max3A_485, %max3A_486 : vector<16xf32>
        %max3A_493 = arith.maximumf %max3A_487, %max3A_488 : vector<16xf32>
        %max3A_494 = arith.maximumf %max3A_489, %max3A_490 : vector<16xf32>
        %max3A_495 = arith.maximumf %max3A_491, %max3A_492 : vector<16xf32>
        %max3A_496 = arith.maximumf %max3A_493, %max3A_494 : vector<16xf32>
        %max3A_497 = arith.maximumf %max3A_495, %max3A_496 : vector<16xf32>
        %max3A_498 = arith.maximumf %max3A_497, %get3A_482 : vector<16xf32>
        %swap3A_499 = arith.index_cast %add3A_416 : i32 to index
        %swap3A_500 = tpu.vector_load %arg6[%swap3A_499] {strides = array<i32>} : memref<2000xf32, #tpu.memory_space<vmem>>, vector<16xf32>,
        tpu.vector_store %arg6[%swap3A_499], %max3A_498 {strides = array<i32>} : memref<2000xf32, #tpu.memory_space<vmem>>, vector<16xf32>,
      }
      %scan3A_59 = arith.constant 25 : i32
      %add3A_60 = arith.constant 2 : i32
      %add3A_61 = arith.addi %add3A_48, %add3A_60 : i32
      %lt3A_62 = arith.constant 14 : i32
      %lt3A_63 = arith.cmpi slt, %add3A_61, %lt3A_62 : i32
      %convert_element_type3A_64 = arith.extui %lt3A_63 : i1 to i32
      %cond3A_65 = arith.constant 0 : i32
      %cond3A_66 = arith.cmpi ne, %convert_element_type3A_64, %cond3A_65 : i32
      scf.if %cond3A_66 {
        %add3A_67 = arith.constant 2 : i32
        %add3A_68 = arith.addi %add3A_48, %add3A_67 : i32
        %mul3A_69 = arith.constant 16 : i32
        %mul3A_70 = arith.muli %add3A_68, %mul3A_69 : i32
        %add3A_71 = arith.addi %mul3A_2, %mul3A_70 : i32
        %dma_start3A_72 = arith.constant 0 : i32
        %dma_start3A_73 = tpu.memref_slice %arg2[%add3A_71, %dma_start3A_72] : memref<18432x2000xf32, #tpu.memory_space<hbm>> -> memref<16x2000xf32, #tpu.memory_space<hbm>>
        %dma_start3A_74 = arith.constant 0 : i32
        %dma_start3A_75 = tpu.memref_slice %arg2[%add3A_71, %dma_start3A_74] : memref<18432x2000xf32, #tpu.memory_space<hbm>> -> memref<16x2000xf32, #tpu.memory_space<hbm>>
        tpu.enqueue_dma source(%dma_start3A_75 : memref<16x2000xf32, #tpu.memory_space<hbm>>) target(%arg5 : memref<16x2000xf32, #tpu.memory_space<vmem>>) target_semaphore(%arg8 : memref<!tpu.dma_semaphore, #tpu.memory_space<semaphore_mem>>)
      } else {
      }
    }
    %scan3A_23 = arith.constant 7 : i32
    %mul3A_24 = arith.constant 2000 : i32
    %mul3A_25 = arith.muli %add3A, %mul3A_24 : i32
    "tpu.region"() ({
      %run_scoped3A = tpu.sem_alloc : memref<!tpu.dma_semaphore, #tpu.memory_space<semaphore_mem>>
      %dma_start3A_26 = tpu.memref_slice %arg3[%mul3A_25] : memref<64000xf32, #tpu.memory_space<hbm>> -> memref<2000xf32, #tpu.memory_space<hbm>>
      %dma_start3A_27 = tpu.memref_slice %arg3[%mul3A_25] : memref<64000xf32, #tpu.memory_space<hbm>> -> memref<2000xf32, #tpu.memory_space<hbm>>
      tpu.enqueue_dma source(%arg6 : memref<2000xf32, #tpu.memory_space<vmem>>) target(%dma_start3A_27 : memref<2000xf32, #tpu.memory_space<hbm>>) target_semaphore(%run_scoped3A : memref<!tpu.dma_semaphore, #tpu.memory_space<semaphore_mem>>)
      %dma_wait3A = tpu.memref_slice %arg3[%mul3A_25] : memref<64000xf32, #tpu.memory_space<hbm>> -> memref<2000xf32, #tpu.memory_space<hbm>>
      %dma_wait3A_28 = tpu.memref_slice %arg3[%mul3A_25] : memref<64000xf32, #tpu.memory_space<hbm>> -> memref<2000xf32, #tpu.memory_space<hbm>>
      tpu.wait_dma2 semaphore(%run_scoped3A : memref<!tpu.dma_semaphore, #tpu.memory_space<semaphore_mem>>) src(%arg6 : memref<2000xf32, #tpu.memory_space<vmem>>) dst(%dma_wait3A_28 : memref<2000xf32, #tpu.memory_space<hbm>>)
      tpu.yield
    }) : () -> ()
    return
  }
}

module attributes {stable_mosaic.version = 14 : i64} {
  func.func @_mm_body(%arg0: memref<32x2000xf32, #tpu.memory_space<vmem>>, %arg1: memref<32x2000xf32, #tpu.memory_space<vmem>>, %arg2: memref<200x2000xf32, #tpu.memory_space<vmem>>, %arg3: memref<32x200xf32, #tpu.memory_space<vmem>>) attributes {dimension_semantics = [], scalar_prefetch = 0 : i64, scratch_operands = 0 : i64, tpu.core_type = #tpu.core_type<tc>} {
    %get3A = arith.constant 0 : index
    %get3A_0 = arith.constant 0 : index
    %get3A_1 = vector.load %arg0[%get3A, %get3A_0] : memref<32x2000xf32, #tpu.memory_space<vmem>>, vector<32x2000xf32>
    %get3A_2 = arith.constant 0 : index
    %get3A_3 = arith.constant 0 : index
    %get3A_4 = vector.load %arg1[%get3A_2, %get3A_3] : memref<32x2000xf32, #tpu.memory_space<vmem>>, vector<32x2000xf32>
    %max3A = arith.maximumf %get3A_1, %get3A_4 : vector<32x2000xf32>
    %get3A_5 = arith.constant 0 : index
    %get3A_6 = arith.constant 0 : index
    %get3A_7 = vector.load %arg2[%get3A_5, %get3A_6] : memref<200x2000xf32, #tpu.memory_space<vmem>>, vector<200x2000xf32>
    %dot_general3A = arith.constant dense<0.000000e+00> : vector<32x200xf32>
    %dot_general3A_8 = tpu.matmul %max3A, %get3A_7, %dot_general3A {dimension_numbers = #tpu.dot_dimension_numbers<[1], [1], [0], [0], [0, 0, 1, 0], [], []>, transpose_lhs_hint = false} : vector<32x2000xf32>, vector<200x2000xf32>, vector<32x200xf32> -> vector<32x200xf32>
    %swap3A = arith.constant 0 : index
    %swap3A_9 = arith.constant 0 : index
    %swap3A_10 = vector.load %arg3[%swap3A, %swap3A_9] : memref<32x200xf32, #tpu.memory_space<vmem>>, vector<32x200xf32>
    tpu.vector_store %arg3[%swap3A, %swap3A_9], %dot_general3A_8 {strides = array<i32>} : memref<32x200xf32, #tpu.memory_space<vmem>>, vector<32x200xf32>,
    return
  }
}

module attributes {stable_mosaic.version = 14 : i64} {
  func.func @_tc_pool_body(%arg0: i32, %arg1: memref<32x32x2000xf32, #tpu.memory_space<vmem>>, %arg2: memref<32x2000xf32, #tpu.memory_space<vmem>>) attributes {dimension_semantics = [#tpu.dimension_semantics<arbitrary>], iteration_bounds = array<i64: 11>, scalar_prefetch = 0 : i64, scratch_operands = 0 : i64, tpu.core_type = #tpu.core_type<tc>, window_params = [{transform_indices = @transform_0, window_bounds = array<i64: 32, 32, 2000>}, {pipeline_mode = #tpu.pipeline_mode<synchronous>, transform_indices = @transform_1, window_bounds = array<i64: 32, 2000>}]} {
    %get3A = arith.constant 0 : index
    %get3A_0 = arith.constant 0 : index
    %get3A_1 = arith.constant 0 : index
    %get3A_2 = vector.load %arg1[%get3A, %get3A_0, %get3A_1] : memref<32x32x2000xf32, #tpu.memory_space<vmem>>, vector<32x32x2000xf32>
    %reduce_max3A = arith.constant dense<0xFF800000> : vector<32x2000xf32>
    %reduce_max3A_3 = vector.multi_reduction <maximumf>, %get3A_2, %reduce_max3A [1] : vector<32x32x2000xf32> to vector<32x2000xf32>
    %eq3A = arith.constant 0 : i32
    %eq3A_4 = arith.cmpi eq, %arg0, %eq3A : i32
    %convert_element_type3A = arith.extui %eq3A_4 : i1 to i32
    %cond3A = arith.constant 0 : i32
    %cond3A_5 = arith.cmpi ne, %convert_element_type3A, %cond3A : i32
    scf.if %cond3A_5 {
      %swap3A = arith.constant 0 : index
      %swap3A_10 = arith.constant 0 : index
      %swap3A_11 = vector.load %arg2[%swap3A, %swap3A_10] : memref<32x2000xf32, #tpu.memory_space<vmem>>, vector<32x2000xf32>
      tpu.vector_store %arg2[%swap3A, %swap3A_10], %reduce_max3A_3 {strides = array<i32>} : memref<32x2000xf32, #tpu.memory_space<vmem>>, vector<32x2000xf32>,
    } else {
    }
    %gt3A = arith.constant 0 : i32
    %gt3A_6 = arith.cmpi sgt, %arg0, %gt3A : i32
    %convert_element_type3A_7 = arith.extui %gt3A_6 : i1 to i32
    %cond3A_8 = arith.constant 0 : i32
    %cond3A_9 = arith.cmpi ne, %convert_element_type3A_7, %cond3A_8 : i32
    scf.if %cond3A_9 {
      %get3A_10 = arith.constant 0 : index
      %get3A_11 = arith.constant 0 : index
      %get3A_12 = vector.load %arg2[%get3A_10, %get3A_11] : memref<32x2000xf32, #tpu.memory_space<vmem>>, vector<32x2000xf32>
      %max3A = arith.maximumf %get3A_12, %reduce_max3A_3 : vector<32x2000xf32>
      %swap3A = arith.constant 0 : index
      %swap3A_13 = arith.constant 0 : index
      %swap3A_14 = vector.load %arg2[%swap3A, %swap3A_13] : memref<32x2000xf32, #tpu.memory_space<vmem>>, vector<32x2000xf32>
      tpu.vector_store %arg2[%swap3A, %swap3A_13], %max3A {strides = array<i32>} : memref<32x2000xf32, #tpu.memory_space<vmem>>, vector<32x2000xf32>,
    } else {
    }
    return
  }
  func.func @transform_0(%arg0: i32) -> (i32, i32, i32) {
    %add3A = arith.constant 7 : i32
    %add3A_0 = arith.addi %add3A, %arg0 : i32
    %c0_i32 = arith.constant 0 : i32
    %c0_i32_1 = arith.constant 0 : i32
    %c0_i32_2 = arith.constant 0 : i32
    return %c0_i32, %add3A_0, %c0_i32_1 : i32, i32, i32
  }
  func.func @transform_1(%arg0: i32) -> (i32, i32) {
    %c0_i32 = arith.constant 0 : i32
    %c0_i32_0 = arith.constant 0 : i32
    %c0_i32_1 = arith.constant 0 : i32
    return %c0_i32, %c0_i32_0 : i32, i32
  }
}

</mosaic_0001>

<sc_bundles>
// kernel: kernel.5.cloned.1.call-start
scs
__scs_entry_jumppad:
0x0: {  	(pc) =	sbr.rel $0x88, $3  }
0x1: {  	(tag) =	ssettag $0x0;
	lr =	simm.s32 $0x1  }
0x2: {  	[smem:$0x3F9F] =	sst lr;
	_ =	strace $0xD0000000  }
0x3: {  	_ = 	snop  }
0x4: {  	_ = 	snop  }
0x5: {  	_ = 	snop  }
0x6: {  	_ = 	snop  }
0x7: {  	_ = 	snop  }
__scs_overlays_trampoline_lowered:
0x8: {  	[smem:$0x3FAE] =	sst s0  }
0x9: {  	[smem:$0x3FAF] =	sst s1  }
0xa: {  	[smem:$0x3FB0] =	sst s2  }
0xb: {  	[smem:$0x3FB1] =	sst s3  }
0xc: {  	[smem:$0x3FB2] =	sst s4  }
0xd: {  	[smem:$0x3FB3] =	sst s5  }
0xe: {  	[smem:$0x3FB4] =	sst s6  }
0xf: {  	[smem:$0x3FB5] =	sst s7  }
0x10: {  	[smem:$0x3FB6] =	sst s8  }
0x11: {  	[smem:$0x3FB7] =	sst s9;
	s0 =	simm.s32 @!p0 $0x0  }
0x12: {  	s1 =	sld [smem:$0x3F9D];
	s0 =	simm.s32 @p0 $0x1  }
0x13: {  	[smem:$0x3FB8] =	sst s0;
	s0 =	simm.s32 @!p1 $0x0  }
0x14: {  	s2 =	sld [smem:$0x3F9C];
	s0 =	simm.s32 @p1 $0x1  }
0x15: {  	[smem:$0x3FB9] =	sst s0;
	s0 =	simm.s32 @!p2 $0x0  }
0x16: {  	s3 =	sld [smem:$0x3FDB];
	s0 =	simm.s32 @p2 $0x1  }
0x17: {  	s4 =	simm.s32 $0x1BF5;
	[smem:$0x3FBB] =	sst s0  }
0x18: {  	s0 =	sld [smem:$0x3F9E];
	_ =	swait.ge [sflag:s4], $0x0  }
0x19: {  	s7 =	sld [smem:$0x3F9F]  }
0x1a: {  	s8 =	sadd.s32 $0xFFFFE003, lr  }
0x1b: {  	s9 =	sadd.s32 $0xFFFFFEF7, lr;
	s5 =	simm.s32 $0xFFFFFFFF;
	p2 =	slt.u32 s8, $0xFFFFF086  }
0x1c: {  	p1 =	slt.u32 s9, $0xF7A;
	s5 =	simm.s32 @!p2 $0x0  }
0x1d: {  	s5 =	simm.s32 @p1 $0x1;
	p0 =	seq.s32 s7, s2  }
0x1e: {  	s7 =	smul.u32 @!p0 $0xF7A, s2;
	p2 =	seq.s32 @!p0 s5, $0x0  }
0x1f: {  	s9 =	smul.u32 $0xF7A, s1;
	s8 =	simm.s32 @!p0 $0x1BF5;
	p2 =	por !p2, p0  }
0x20: {  	[sflag:s8] =	ssyncset.s32 @!p0 $0xFFFFF086;
	s6 =	sadd.s32 @!p0 s3, s7;
	s7 =	simm.s32 @!p0 $0x108  }
0x21: {  	s3 =	sadd.s32 s3, s9;
	s6 =	sadd.s32 @!p0 $0x88, s6;
	s7 =	simm.s32 @p2 $0x1082  }
0x22: {  	[simem:s7], [sflag:s8] =	dma.local @!p0 [hbm:s6], $0xF7A  }
0x23: {  	s9 =	sor.u32 $0xD0000000, s2;
	s6 =	simm.s32 $0x108;
	_ =	swait.ge @!p0 [sflag:s8], $0x0  }
0x24: {  	s3 =	sadd.s32 $0x88, s3;
	s6 =	simm.s32 @!p1 $0x1082;
	[sflag:s4] =	ssyncset.s32 $0xFFFFF086  }
0x25: {  	[simem:s6], [sflag:s4] =	dma.local [hbm:s3], $0xF7A  }
0x26: {  	[smem:$0x3F9F] =	sst s1;
	(tag) =	ssettag s2;
	_ =	strace s9  }
0x27: {  	s1 =	sld [smem:$0x3FAF]  }
0x28: {  	s2 =	sld [smem:$0x3FB0]  }
0x29: {  	s4 =	sld [smem:$0x3FB2]  }
0x2a: {  	p0 =	seq.s32 s5, $0x0;
	s5 =	sld [smem:$0x3FB3]  }
0x2b: {  	s6 =	sld [smem:$0x3FB4]  }
0x2c: {  	s7 =	sld [smem:$0x3FB5]  }
0x2d: {  	s3 =	simm.s32 $0x108;
	s8 =	sld [smem:$0x3FB6]  }
0x2e: {  	s3 =	simm.s32 @!p0 $0x1082;
	s9 =	sld [smem:$0x3FB7]  }
0x2f: {  	lr =	sadd.s32 s0, s3;
	s0 =	sld [smem:$0x3FAE]  }
0x30: {  	s3 =	sld [smem:$0x3FB1]  }
0x31: {  	[smem:$0x3FBA] =	sst s10  }
0x32: {  	s10 =	sld [smem:$0x3FB8];
	_ =	sdelay $0x3  }
0x33: {  	p0 =	seq.s32 s10, $0x1;
	s10 =	sld [smem:$0x3FBA];
	_ =	sdelay $0x3  }
0x34: {  	[smem:$0x3FBA] =	sst s10  }
0x35: {  	s10 =	sld [smem:$0x3FB9];
	_ =	sdelay $0x3  }
0x36: {  	p1 =	seq.s32 s10, $0x1;
	s10 =	sld [smem:$0x3FBA];
	_ =	sdelay $0x3  }
0x37: {  	[smem:$0x3FBA] =	sst s10  }
0x38: {  	s10 =	sld [smem:$0x3FBB]  }
0x39: {  	_ = 	snop;
	(pc) =	sbr.ind lr, $3  }
0x3a: {  	_ = 	snop  }
0x3b: {  	_ = 	snop  }
0x3c: {  	p2 =	seq.s32 s10, $0x1;
	s10 =	sld [smem:$0x3FBA]  }
0x3d: {  	_ =	shalt  }
0x3e: {  	_ =	shalt  }
0x3f: {  	_ =	shalt  }
0x40: {  	_ =	shalt  }
0x41: {  	_ =	shalt  }
0x42: {  	_ =	shalt  }
0x43: {  	_ =	shalt  }
0x44: {  	_ =	shalt  }
0x45: {  	_ =	shalt  }
0x46: {  	_ =	shalt  }
0x47: {  	_ =	shalt  }
0x48: {  	_ =	shalt  }
0x49: {  	_ =	shalt  }
0x4a: {  	_ =	shalt  }
0x4b: {  	_ =	shalt  }
0x4c: {  	_ =	shalt  }
0x4d: {  	_ =	shalt  }
0x4e: {  	_ =	shalt  }
0x4f: {  	_ =	shalt  }
0x50: {  	_ =	shalt  }
0x51: {  	_ =	shalt  }
0x52: {  	_ =	shalt  }
0x53: {  	_ =	shalt  }
0x54: {  	_ =	shalt  }
0x55: {  	_ =	shalt  }
0x56: {  	_ =	shalt  }
0x57: {  	_ =	shalt  }
0x58: {  	_ =	shalt  }
0x59: {  	_ =	shalt  }
0x5a: {  	_ =	shalt  }
0x5b: {  	_ =	shalt  }
0x5c: {  	_ =	shalt  }
0x5d: {  	_ =	shalt  }
0x5e: {  	_ =	shalt  }
0x5f: {  	_ =	shalt  }
0x60: {  	_ =	shalt  }
0x61: {  	_ =	shalt  }
0x62: {  	_ =	shalt  }
0x63: {  	_ =	shalt  }
0x64: {  	_ =	shalt  }
0x65: {  	_ =	shalt  }
0x66: {  	_ =	shalt  }
0x67: {  	_ =	shalt  }
0x68: {  	_ =	shalt  }
0x69: {  	_ =	shalt  }
0x6a: {  	_ =	shalt  }
0x6b: {  	_ =	shalt  }
0x6c: {  	_ =	shalt  }
0x6d: {  	_ =	shalt  }
0x6e: {  	_ =	shalt  }
0x6f: {  	_ =	shalt  }
0x70: {  	_ =	shalt  }
0x71: {  	_ =	shalt  }
0x72: {  	_ =	shalt  }
0x73: {  	_ =	shalt  }
0x74: {  	_ =	shalt  }
0x75: {  	_ =	shalt  }
0x76: {  	_ =	shalt  }
0x77: {  	_ =	shalt  }
0x78: {  	_ =	shalt  }
0x79: {  	_ =	shalt  }
0x7a: {  	_ =	shalt  }
0x7b: {  	_ =	shalt  }
0x7c: {  	_ =	shalt  }
0x7d: {  	_ =	shalt  }
0x7e: {  	_ =	shalt  }
0x7f: {  	_ =	shalt  }
0x80: {  	_ =	shalt  }
0x81: {  	_ =	shalt  }
0x82: {  	_ =	shalt  }
0x83: {  	_ =	shalt  }
0x84: {  	_ =	shalt  }
0x85: {  	_ =	shalt  }
0x86: {  	_ =	shalt  }
0x87: {  	_ =	shalt  }
.Lfunc_end0:
.L_simem_size_0:
called_computation_lowered:
.L_overlay_start_0:
0x88: {  	s2 =	sld [smem:$0x3FD9]  }
0x89: {  	s3 =	sld [smem:$0x3FFE];
	_ =	sdelay $0x1  }
0x8a: {  	s1 =	srdreg.scid  }
0x8b: {  	s0 =	sand.u32 $0x1, s1  }
0x8c: {  	s17 =	sshll.u32 s0, $0xA;
	s2 =	sadd.s32 s3, s2  }
0x8d: {  	s2 =	sadd.s32 s2, s17  }
0x8e: {  	[smem:$0x3FC6] =	sst s2  }
0x8f: {  	_ = 	snop  }
0x90: {  	s2 =	sld [smem:$0x3FC9];
	(tm) =	ssettm $0x1  }
0x91: {  	s18 =	sld [smem:$0x3FFB];
	_ =	sdelay $0x3  }
0x92: {  	_ =	strace s18  }
0x93: {  	s3 =	sld [smem:$0x3FFC];
	_ =	sdelay $0x3  }
0x94: {  	_ =	strace s3  }
0x95: {  	s3 =	sld [smem:$0x3FFD];
	_ =	sdelay $0x3  }
0x96: {  	_ =	strace s3  }
0x97: {  	_ =	strace $0x8FFFFFFF  }
0x98: {  	s19 =	sld [smem:$0x3FDB];
	_ =	sdelay $0x1  }
0x99: {  	s4 =	simm.s32 $_scs_section_size  }
0x9a: {  	s5 =	simm.s32 $_size__tile_overlayer_lowered;
	s6 =	simm.s32 $_tile_overlayer_lowered  }
0x9b: {  	s22 =	simm.s32 $0x1BFF;
	s21 =	sshll.u32 s6, $0x1;
	s3 =	sadd.s32 s4, s19  }
0x9c: {  	s7 =	simm.s32 $0x0;
	s20 =	sshll.u32 s5, $0x1;
	s5 =	sadd.s32 s21, s3  }
0x9d: {  	[timem:s7], [sflag:s22] =	dma.local [hbm:s5], s20  }
0x9e: {  	_ =	swait.ge [sflag:s22], s20  }
0x9f: {  	s4 =	ssub.s32 $0x0, s20;
	[sflag:s22] =	ssyncset.done $0x0  }
0xa0: {  	[sflag:s22] =	ssyncadd.s32 s4;
	_ =	sdelay $0x1  }
0xa1: {  	s23 =	simm.s32 $0x1B8B  }
0xa2: {  	_ =	swait.ge [sflag:s23], $0x1  }
0xa3: {  	[sflag:s23] =	ssyncset.done $0x0  }
0xa4: {  	s25 =	simm.s32 $0x1B8E;
	s24 =	sld [smem:$0x3FFE];
	[sflag:s23] =	ssyncadd.s32 $0xFFFFFFFF  }
0xa5: {  	s26 =	simm.s32 $execute0_lowered;
	[smem:$0x3FD2] =	sst s25  }
0xa6: {  	s5 =	sshll.u32 s26, $0x1;
	_ =	strace $0x80000046;
	[dreg:$0x1] =	wrdreg $0xFFFFFFFF  }
0xa7: {  	s28 =	simm.s32 $_size_execute0_lowered;
	s3 =	sadd.s32 s3, s5;
	[dreg:$0x0] =	wrdreg $0x0  }
0xa8: {  	s5 =	sshll.u32 s28, $0x1;
	[dreg:$0x2] =	wrdreg s3  }
0xa9: {  	[dreg:$0x3] =	wrdreg s5  }
0xaa: {  	[dreg:$0x4] =	wrdreg $0xC0  }
0xab: {  	_ =	task [dreg:s7], $0x5FFFF  }
0xac: {  	[dreg:$0x1] =	wrdreg $0xFFFFFFFF  }
0xad: {  	[dreg:$0x0] =	wrdreg $0x60  }
0xae: {  	[dreg:$0x2] =	wrdreg s2  }
0xaf: {  	[dreg:$0x3] =	wrdreg s24  }
0xb0: {  	[dreg:$0x4] =	wrdreg $0x9  }
0xb1: {  	_ =	task.clear_ibuf [dreg:s7], $0x5FFFF;
	_ =	strace $0x90000046  }
0xb2: {  	s29 =	simm.s32 $0x9;
	_ =	strace $0x80000048  }
0xb3: {  	_ =	swait.ge [sflag:s29], $0x1  }
0xb4: {  	[sflag:s29] =	ssyncadd.s32 $0xFFFFFFFF  }
0xb5: {  	_ =	strace $0x90000048  }
0xb6: {  	_ =	sfence  }
0xb7: {  	s30 =	sld [smem:$0x0];
	_ =	sdelay $0x2  }
0xb8: {  	s31 =	sshll.u32 s1, $0xD;
	s1 =	sshrl.u32 s1, $0x2  }
0xb9: {  	s3 =	sand.u32 $0x4000, s31;
	s1 =	sadd.s32 s1, s30  }
0xba: {  	s0 =	sor.u32 s3, s0;
	s1 =	sshll.u32 s1, $0x11  }
0xbb: {  	s0 =	sor.u32 s1, s0  }
0xbc: {  	s0 =	sadd.s32 $0x8F2B, s0  }
0xbd: {  	[sflag:s0] =	ssyncadd.remote.s32 $0x1  }
0xbe: {  	_ =	sfence.sel $0xFFFF  }
0xbf: {  	[dreg:$0x0] =	wrdreg $0xFFFFFFFF;
	(pc) =	sbr.abs _section_cstart, $3  }
0xc0: {  	[dreg:$0x1] =	wrdreg $0xFFFFFFFF  }
0xc1: {  	_ =	task.clear_ibuf [dreg:s7], $0x2FFFF;
	_ =	strace $0x9FFFFFFF  }
0xc2: {  	(tm) =	ssettm $0x7FFFFFFF  }
0xc3: {  	_ =	shalt  }
tec
execute0_lowered:
.L_overlay_start_1:
0x0: {  	(tag) =	ssettag $0x1  }
0x1: {  	s1 =	srdreg.scid;
	s0 =	stileid.u32  }
0x2: {  	s2 =	rddreg [dreg:$0x0];
	s4 =	sand.u32 $0x1, s1;
	s30 =	sshll.u32 s0, $0x1  }
0x3: {  	s5 =	rddreg [dreg:$0x1];
	s6 =	sor.u32 s4, s30  }
0x4: {  	s3 =	simm.s32 $0x0;
	s12 =	simm.s32 $0x2;
	s7 =	smul.u32 $0xFA, s6  }
0x5: {  	s13 =	simm.s32 $0x10000;
	s14 =	simm.s32 $0x3;
	s8 =	smul.u32 $0x24000, s6  }
0x6: {  	s15 =	simm.s32 $0x0;
	s9 =	ssub.s32 $0x2, s4;
	s10 =	smul.u32 $0x120000, s6  }
.Ltmp0:
0x7: {  	[smem:$0x7FF] =	sst s3;
	s31 =	sshrl.u32 s9, $0x1;
	(pc) =	sbr.rel .LBB2_1-.Ltmp0, $4  }
0x8: {  	s1 =	rddreg [dreg:$0x2];
	_ =	strace $0x80000047;
	s9 =	ssub.s32 s9, s31  }
0x9: {  	s11 =	sadd.s32 s7, s5;
	s4 =	sadd.s32 s2, s8;
	s6 =	sor.u32 $0x10000, s10  }
0xa: {  	s7 =	sor.u32 $0x18000, s10;
	s9 =	smax.u32 s9, $0x1;
	s10 =	simm.s32 $0x8000  }
0xb: {  	v0 =	vimm.f32 $-Inf;
	s5 =	sadd.s32 $0x1000, s4;
	s8 =	sadd.s32 $0x600, s11;
	s11 =	simm.s32 $0x1  }
.LBB2_10:
0xc: {  	s15 =	sadd.s32 $0x1, s15  }
0xd: {  	p0 =	sne.s32 s15, s9  }
.Ltmp1:
0xe: {  	_ = 	snop;
	(pc) =	sbr.rel @!p0 .LBB2_11-.Ltmp1, $4  }
0xf: {  	[hbm4b:s8+s3] =	stream.linear.scatter [tilespmem:s13], [sflag:$0x3], $0x7D0, $0x38;
	[tilespmem:$0x10800] =	vst v63  }
0x10: {  	_ =	swait.ge [sflag:s14], $0x7D0  }
0x11: {  	[sflag:s14] =	ssyncset.done $0x0  }
0x12: {  	[sflag:s14] =	ssyncadd.s32 $0xFFFFF830  }
.LBB2_1:
0x13: {  	s16 =	simm.s32 $0x40;
	s17 =	simm.s32 $0x0  }
.LBB2_2:
0x14: {  	p0 =	sne.s32 s16, $0x1F00;
	[tilespmem:s17+$0x10000] =	vst v0;
	s17 =	smov.u32 s16;
	s16 =	sadd.s32 $0x40, s16  }
.Ltmp2:
0x15: {  	(pc) =	sbr.rel @p0 .LBB2_2-.Ltmp2, $2  }
0x16: {  	_ =	sdelay $0x2  }
0x17: {  	s17 =	sshra.s32 s17, $0x2  }
0x18: {  	[tilespmem:s17+$0x10000] =	vst v0;
	s16 =	simm.s32 $0x0  }
0x19: {  	[tilespmem:s16], [sflag:$0x1] =	stream.linear.gather [hbm4b:s4+s16], $0x8000, $0x38;
	[tilespmem:$0x10800] =	vst v63  }
0x1a: {  	_ = 	snop  }
0x1b: {  	[tilespmem:s10], [sflag:$0x2] =	stream.linear.gather [hbm4b:s5+s16], $0x8000, $0x38;
	[tilespmem:$0x10800] =	vst v63  }
.LBB2_4:
0x1c: {  	_ =	swait.ge [sflag:s11], $0x8000  }
0x1d: {  	s17 =	simm.s32 $0x10020;
	[sflag:s11] =	ssyncset.done $0x0  }
0x1e: {  	s18 =	simm.s32 $0x0;
	s19 =	simm.s32 $0x0;
	[sflag:s11] =	ssyncadd.s32 $0xFFFF8000  }
.LBB2_5:
0x1f: {  	s20 =	sand.u32 $0x70, s18;
	s21 =	sand.u32 $0x7C00, s19  }
0x20: {  	s20 =	sor.u32 s20, s21  }
0x21: {  	v1 =	vld [tilespmem:s20+$0x0]  }
0x22: {  	v2 =	vld [tilespmem:s20+$0x80]  }
0x23: {  	v3 =	vld [tilespmem:s20+$0x100]  }
0x24: {  	v4 =	vld [tilespmem:s20+$0x180]  }
0x25: {  	v5 =	vld [tilespmem:s20+$0x200]  }
0x26: {  	v6 =	vld [tilespmem:s20+$0x280]  }
0x27: {  	v7 =	vld [tilespmem:s20+$0x300]  }
0x28: {  	v8 =	vld [tilespmem:s20+$0x380]  }
0x29: {  	v9 =	vld [tilespmem:s20+$0x4000]  }
0x2a: {  	v10 =	vld [tilespmem:s20+$0x4080]  }
0x2b: {  	v11 =	vld [tilespmem:s20+$0x4100]  }
0x2c: {  	v12 =	vld [tilespmem:s20+$0x4180]  }
0x2d: {  	v13 =	vld [tilespmem:s20+$0x4200]  }
0x2e: {  	v14 =	vld [tilespmem:s20+$0x4280]  }
0x2f: {  	v15 =	vld [tilespmem:s20+$0x4300]  }
0x30: {  	v16 =	vld [tilespmem:s20+$0x4380];
	_ =	sdelay $0x2  }
0x31: {  	v1 =	vmax.f32 v1, v2;
	v2 =	vmax.f32 v3, v4;
	v3 =	vmax.f32 v5, v6  }
0x32: {  	v24 =	vld [tilespmem:s17+$0xFFFFFFE0];
	v25 =	vmax.f32 v7, v8;
	v26 =	vmax.f32 v9, v10;
	v27 =	vmax.f32 v11, v12  }
0x33: {  	v28 =	vmax.f32 v13, v14;
	v29 =	vmax.f32 v15, v16;
	v1 =	vmax.f32 v1, v2  }
0x34: {  	v2 =	vmax.f32 v3, v25;
	v3 =	vmax.f32 v26, v27;
	v30 =	vmax.f32 v28, v29  }
0x35: {  	v1 =	vmax.f32 v1, v2;
	v2 =	vmax.f32 v3, v30  }
0x36: {  	s23 =	sadd.s32 $0x10, s18;
	s24 =	sadd.s32 $0x80, s19;
	v1 =	vmax.f32 v1, v2  }
0x37: {  	s21 =	sand.u32 $0xFC00, s24;
	s20 =	sand.u32 $0x70, s23;
	v1 =	vmax.f32 v1, v24  }
0x38: {  	s20 =	sor.u32 s20, s21;
	[tilespmem:s17+$0xFFFFFFE0] =	vst v1  }
0x39: {  	v1 =	vld [tilespmem:s20+$0x0]  }
0x3a: {  	v2 =	vld [tilespmem:s20+$0x80]  }
0x3b: {  	v3 =	vld [tilespmem:s20+$0x100]  }
0x3c: {  	v31 =	vld [tilespmem:s20+$0x180]  }
0x3d: {  	v32 =	vld [tilespmem:s20+$0x200]  }
0x3e: {  	v33 =	vld [tilespmem:s20+$0x280]  }
0x3f: {  	v34 =	vld [tilespmem:s20+$0x300]  }
0x40: {  	v35 =	vld [tilespmem:s20+$0x380]  }
0x41: {  	v36 =	vld [tilespmem:s20+$0x4000]  }
0x42: {  	v37 =	vld [tilespmem:s20+$0x4080]  }
0x43: {  	v38 =	vld [tilespmem:s20+$0x4100]  }
0x44: {  	v39 =	vld [tilespmem:s20+$0x4180]  }
0x45: {  	v40 =	vld [tilespmem:s20+$0x4200]  }
0x46: {  	v41 =	vld [tilespmem:s20+$0x4280]  }
0x47: {  	v42 =	vld [tilespmem:s20+$0x4300]  }
0x48: {  	v43 =	vld [tilespmem:s20+$0x4380];
	_ =	sdelay $0x2  }
0x49: {  	v1 =	vmax.f32 v1, v2;
	v2 =	vmax.f32 v3, v31;
	v3 =	vmax.f32 v32, v33  }
0x4a: {  	v44 =	vld [tilespmem:s17+$0xFFFFFFF0];
	v45 =	vmax.f32 v34, v35;
	v46 =	vmax.f32 v36, v37;
	v47 =	vmax.f32 v38, v39  }
0x4b: {  	v48 =	vmax.f32 v40, v41;
	v49 =	vmax.f32 v42, v43;
	v1 =	vmax.f32 v1, v2  }
0x4c: {  	v2 =	vmax.f32 v3, v45;
	v3 =	vmax.f32 v46, v47;
	v50 =	vmax.f32 v48, v49  }
0x4d: {  	v1 =	vmax.f32 v1, v2;
	v2 =	vmax.f32 v3, v50  }
0x4e: {  	s25 =	sadd.s32 $0x20, s18;
	s26 =	sadd.s32 $0x100, s19;
	v1 =	vmax.f32 v1, v2  }
0x4f: {  	s21 =	sand.u32 $0xFC00, s26;
	s20 =	sand.u32 $0x70, s25;
	v1 =	vmax.f32 v1, v44  }
0x50: {  	s20 =	sor.u32 s20, s21;
	[tilespmem:s17+$0xFFFFFFF0] =	vst v1  }
0x51: {  	v1 =	vld [tilespmem:s20+$0x0]  }
0x52: {  	v2 =	vld [tilespmem:s20+$0x80]  }
0x53: {  	v3 =	vld [tilespmem:s20+$0x100]  }
0x54: {  	v51 =	vld [tilespmem:s20+$0x180]  }
0x55: {  	v52 =	vld [tilespmem:s20+$0x200]  }
0x56: {  	v53 =	vld [tilespmem:s20+$0x280]  }
0x57: {  	v54 =	vld [tilespmem:s20+$0x300]  }
0x58: {  	v55 =	vld [tilespmem:s20+$0x380]  }
0x59: {  	v56 =	vld [tilespmem:s20+$0x4000]  }
0x5a: {  	v57 =	vld [tilespmem:s20+$0x4080]  }
0x5b: {  	v58 =	vld [tilespmem:s20+$0x4100]  }
0x5c: {  	v59 =	vld [tilespmem:s20+$0x4180]  }
0x5d: {  	v60 =	vld [tilespmem:s20+$0x4200]  }
0x5e: {  	v61 =	vld [tilespmem:s20+$0x4280]  }
0x5f: {  	v62 =	vld [tilespmem:s20+$0x4300]  }
0x60: {  	v63 =	vld [tilespmem:s20+$0x4380];
	_ =	sdelay $0x2  }
0x61: {  	v1 =	vmax.f32 v1, v2;
	v2 =	vmax.f32 v3, v51;
	v3 =	vmax.f32 v52, v53  }
0x62: {  	v17 =	vld [tilespmem:s17+$0x0];
	v18 =	vmax.f32 v54, v55;
	v19 =	vmax.f32 v56, v57;
	v20 =	vmax.f32 v58, v59  }
0x63: {  	v21 =	vmax.f32 v60, v61;
	v22 =	vmax.f32 v62, v63;
	v1 =	vmax.f32 v1, v2  }
0x64: {  	v2 =	vmax.f32 v3, v18;
	v3 =	vmax.f32 v19, v20;
	v23 =	vmax.f32 v21, v22  }
0x65: {  	v1 =	vmax.f32 v1, v2;
	v2 =	vmax.f32 v3, v23  }
0x66: {  	s28 =	sadd.s32 $0x30, s18;
	s29 =	sadd.s32 $0x180, s19;
	v1 =	vmax.f32 v1, v2  }
0x67: {  	s21 =	sand.u32 $0xFC00, s29;
	s20 =	sand.u32 $0x70, s28;
	v1 =	vmax.f32 v1, v17  }
0x68: {  	s20 =	sor.u32 s20, s21;
	[tilespmem:s17+$0x0] =	vst v1  }
0x69: {  	v1 =	vld [tilespmem:s20+$0x0]  }
0x6a: {  	v2 =	vld [tilespmem:s20+$0x80]  }
0x6b: {  	v3 =	vld [tilespmem:s20+$0x100]  }
0x6c: {  	v24 =	vld [tilespmem:s20+$0x180]  }
0x6d: {  	v25 =	vld [tilespmem:s20+$0x200]  }
0x6e: {  	v26 =	vld [tilespmem:s20+$0x280]  }
0x6f: {  	v27 =	vld [tilespmem:s20+$0x300]  }
0x70: {  	v28 =	vld [tilespmem:s20+$0x380]  }
0x71: {  	v29 =	vld [tilespmem:s20+$0x4000]  }
0x72: {  	v30 =	vld [tilespmem:s20+$0x4080]  }
0x73: {  	v31 =	vld [tilespmem:s20+$0x4100]  }
0x74: {  	v32 =	vld [tilespmem:s20+$0x4180]  }
0x75: {  	v33 =	vld [tilespmem:s20+$0x4200]  }
0x76: {  	v34 =	vld [tilespmem:s20+$0x4280]  }
0x77: {  	v35 =	vld [tilespmem:s20+$0x4300]  }
0x78: {  	v36 =	vld [tilespmem:s20+$0x4380];
	_ =	sdelay $0x2  }
0x79: {  	v1 =	vmax.f32 v1, v2;
	v2 =	vmax.f32 v3, v24;
	v3 =	vmax.f32 v25, v26  }
0x7a: {  	v37 =	vld [tilespmem:s17+$0x10];
	v38 =	vmax.f32 v27, v28;
	v39 =	vmax.f32 v29, v30;
	v40 =	vmax.f32 v31, v32  }
0x7b: {  	v41 =	vmax.f32 v33, v34;
	v42 =	vmax.f32 v35, v36;
	v1 =	vmax.f32 v1, v2  }
0x7c: {  	v2 =	vmax.f32 v3, v38;
	v3 =	vmax.f32 v39, v40;
	v43 =	vmax.f32 v41, v42  }
0x7d: {  	v1 =	vmax.f32 v1, v2;
	v2 =	vmax.f32 v3, v43  }
0x7e: {  	s30 =	sadd.s32 $0x40, s18;
	s31 =	sadd.s32 $0x200, s19;
	v1 =	vmax.f32 v1, v2  }
0x7f: {  	s21 =	sand.u32 $0xFC00, s31;
	s20 =	sand.u32 $0x70, s30;
	v1 =	vmax.f32 v1, v37  }
0x80: {  	s20 =	sor.u32 s20, s21;
	[tilespmem:s17+$0x10] =	vst v1  }
0x81: {  	v1 =	vld [tilespmem:s20+$0x0]  }
0x82: {  	v2 =	vld [tilespmem:s20+$0x80]  }
0x83: {  	v3 =	vld [tilespmem:s20+$0x100]  }
0x84: {  	v44 =	vld [tilespmem:s20+$0x180]  }
0x85: {  	v45 =	vld [tilespmem:s20+$0x200]  }
0x86: {  	v46 =	vld [tilespmem:s20+$0x280]  }
0x87: {  	v47 =	vld [tilespmem:s20+$0x300]  }
0x88: {  	v48 =	vld [tilespmem:s20+$0x380]  }
0x89: {  	v49 =	vld [tilespmem:s20+$0x4000]  }
0x8a: {  	v50 =	vld [tilespmem:s20+$0x4080]  }
0x8b: {  	v51 =	vld [tilespmem:s20+$0x4100]  }
0x8c: {  	v52 =	vld [tilespmem:s20+$0x4180]  }
0x8d: {  	v53 =	vld [tilespmem:s20+$0x4200]  }
0x8e: {  	v54 =	vld [tilespmem:s20+$0x4280]  }
0x8f: {  	v55 =	vld [tilespmem:s20+$0x4300]  }
0x90: {  	v56 =	vld [tilespmem:s20+$0x4380];
	_ =	sdelay $0x2  }
0x91: {  	v1 =	vmax.f32 v1, v2;
	v2 =	vmax.f32 v3, v44;
	v3 =	vmax.f32 v45, v46  }
0x92: {  	v57 =	vld [tilespmem:s17+$0x20];
	v58 =	vmax.f32 v47, v48;
	v59 =	vmax.f32 v49, v50;
	v60 =	vmax.f32 v51, v52  }
0x93: {  	p0 =	sne.s32 s19, $0x3C00;
	v61 =	vmax.f32 v53, v54;
	v62 =	vmax.f32 v55, v56;
	v1 =	vmax.f32 v1, v2  }
.Ltmp3:
0x94: {  	v2 =	vmax.f32 v3, v58;
	v3 =	vmax.f32 v59, v60;
	v63 =	vmax.f32 v61, v62;
	(pc) =	sbr.rel @p0 .LBB2_5-.Ltmp3, $4  }
0x95: {  	v1 =	vmax.f32 v1, v2;
	v2 =	vmax.f32 v3, v63  }
0x96: {  	v1 =	vmax.f32 v1, v2  }
0x97: {  	v1 =	vmax.f32 v1, v57  }
0x98: {  	s18 =	sadd.s32 $0x50, s18;
	s19 =	sadd.s32 $0x280, s19;
	[tilespmem:s17+$0x20] =	vst v1;
	s17 =	sadd.s32 $0x50, s17  }
0x99: {  	s17 =	sshll.u32 s16, $0x10;
	p0 =	seq.s32 s16, $0x6  }
0x9a: {  	s18 =	sadd.s32 @!p0 s17, s6  }
0x9b: {  	s18 =	sshrl.u32 @!p0 s18, $0x3  }
0x9c: {  	s19 =	simm.s32 @!p0 $0x0;
	s18 =	sadd.s32 @!p0 s2, s18  }
0x9d: {  	[tilespmem:s19], [sflag:$0x1] =	stream.linear.gather @!p0 [hbm4b:s18+s19], $0x8000, $0x38;
	[tilespmem:$0x10800] =	vst v63  }
0x9e: {  	_ =	swait.ge [sflag:s12], $0x8000  }
0x9f: {  	s20 =	simm.s32 $0x0;
	[sflag:s12] =	ssyncset.done $0x0  }
0xa0: {  	s18 =	simm.s32 $0x0;
	s19 =	simm.s32 $0x10020;
	[sflag:s12] =	ssyncadd.s32 $0xFFFF8000  }
.LBB2_7:
0xa1: {  	s21 =	sand.u32 $0x70, s18;
	s22 =	sand.u32 $0x7C00, s20  }
0xa2: {  	s21 =	sor.u32 s21, s22  }
0xa3: {  	v1 =	vld [tilespmem:s21+$0x8000]  }
0xa4: {  	v2 =	vld [tilespmem:s21+$0x8080]  }
0xa5: {  	v3 =	vld [tilespmem:s21+$0x8100]  }
0xa6: {  	v4 =	vld [tilespmem:s21+$0x8180]  }
0xa7: {  	v5 =	vld [tilespmem:s21+$0x8200]  }
0xa8: {  	v6 =	vld [tilespmem:s21+$0x8280]  }
0xa9: {  	v7 =	vld [tilespmem:s21+$0x8300]  }
0xaa: {  	v8 =	vld [tilespmem:s21+$0x8380]  }
0xab: {  	v9 =	vld [tilespmem:s21+$0xC000]  }
0xac: {  	v10 =	vld [tilespmem:s21+$0xC080]  }
0xad: {  	v11 =	vld [tilespmem:s21+$0xC100]  }
0xae: {  	v12 =	vld [tilespmem:s21+$0xC180]  }
0xaf: {  	v13 =	vld [tilespmem:s21+$0xC200]  }
0xb0: {  	v14 =	vld [tilespmem:s21+$0xC280]  }
0xb1: {  	v15 =	vld [tilespmem:s21+$0xC300]  }
0xb2: {  	v16 =	vld [tilespmem:s21+$0xC380];
	_ =	sdelay $0x2  }
0xb3: {  	v1 =	vmax.f32 v1, v2;
	v2 =	vmax.f32 v3, v4;
	v3 =	vmax.f32 v5, v6  }
0xb4: {  	v24 =	vld [tilespmem:s19+$0xFFFFFFE0];
	v25 =	vmax.f32 v7, v8;
	v26 =	vmax.f32 v9, v10;
	v27 =	vmax.f32 v11, v12  }
0xb5: {  	v28 =	vmax.f32 v13, v14;
	v29 =	vmax.f32 v15, v16;
	v1 =	vmax.f32 v1, v2  }
0xb6: {  	v2 =	vmax.f32 v3, v25;
	v3 =	vmax.f32 v26, v27;
	v30 =	vmax.f32 v28, v29  }
0xb7: {  	v1 =	vmax.f32 v1, v2;
	v2 =	vmax.f32 v3, v30  }
0xb8: {  	s23 =	sadd.s32 $0x10, s18;
	s24 =	sadd.s32 $0x80, s20;
	v1 =	vmax.f32 v1, v2  }
0xb9: {  	s22 =	sand.u32 $0xFC00, s24;
	s21 =	sand.u32 $0x70, s23;
	v1 =	vmax.f32 v1, v24  }
0xba: {  	s21 =	sor.u32 s21, s22;
	[tilespmem:s19+$0xFFFFFFE0] =	vst v1  }
0xbb: {  	v1 =	vld [tilespmem:s21+$0x8000]  }
0xbc: {  	v2 =	vld [tilespmem:s21+$0x8080]  }
0xbd: {  	v3 =	vld [tilespmem:s21+$0x8100]  }
0xbe: {  	v31 =	vld [tilespmem:s21+$0x8180]  }
0xbf: {  	v32 =	vld [tilespmem:s21+$0x8200]  }
0xc0: {  	v33 =	vld [tilespmem:s21+$0x8280]  }
0xc1: {  	v34 =	vld [tilespmem:s21+$0x8300]  }
0xc2: {  	v35 =	vld [tilespmem:s21+$0x8380]  }
0xc3: {  	v36 =	vld [tilespmem:s21+$0xC000]  }
0xc4: {  	v37 =	vld [tilespmem:s21+$0xC080]  }
0xc5: {  	v38 =	vld [tilespmem:s21+$0xC100]  }
0xc6: {  	v39 =	vld [tilespmem:s21+$0xC180]  }
0xc7: {  	v40 =	vld [tilespmem:s21+$0xC200]  }
0xc8: {  	v41 =	vld [tilespmem:s21+$0xC280]  }
0xc9: {  	v42 =	vld [tilespmem:s21+$0xC300]  }
0xca: {  	v43 =	vld [tilespmem:s21+$0xC380];
	_ =	sdelay $0x2  }
0xcb: {  	v1 =	vmax.f32 v1, v2;
	v2 =	vmax.f32 v3, v31;
	v3 =	vmax.f32 v32, v33  }
0xcc: {  	v44 =	vld [tilespmem:s19+$0xFFFFFFF0];
	v45 =	vmax.f32 v34, v35;
	v46 =	vmax.f32 v36, v37;
	v47 =	vmax.f32 v38, v39  }
0xcd: {  	v48 =	vmax.f32 v40, v41;
	v49 =	vmax.f32 v42, v43;
	v1 =	vmax.f32 v1, v2  }
0xce: {  	v2 =	vmax.f32 v3, v45;
	v3 =	vmax.f32 v46, v47;
	v50 =	vmax.f32 v48, v49  }
0xcf: {  	v1 =	vmax.f32 v1, v2;
	v2 =	vmax.f32 v3, v50  }
0xd0: {  	s25 =	sadd.s32 $0x20, s18;
	s26 =	sadd.s32 $0x100, s20;
	v1 =	vmax.f32 v1, v2  }
0xd1: {  	s22 =	sand.u32 $0xFC00, s26;
	s21 =	sand.u32 $0x70, s25;
	v1 =	vmax.f32 v1, v44  }
0xd2: {  	s21 =	sor.u32 s21, s22;
	[tilespmem:s19+$0xFFFFFFF0] =	vst v1  }
0xd3: {  	v1 =	vld [tilespmem:s21+$0x8000]  }
0xd4: {  	v2 =	vld [tilespmem:s21+$0x8080]  }
0xd5: {  	v3 =	vld [tilespmem:s21+$0x8100]  }
0xd6: {  	v51 =	vld [tilespmem:s21+$0x8180]  }
0xd7: {  	v52 =	vld [tilespmem:s21+$0x8200]  }
0xd8: {  	v53 =	vld [tilespmem:s21+$0x8280]  }
0xd9: {  	v54 =	vld [tilespmem:s21+$0x8300]  }
0xda: {  	v55 =	vld [tilespmem:s21+$0x8380]  }
0xdb: {  	v56 =	vld [tilespmem:s21+$0xC000]  }
0xdc: {  	v57 =	vld [tilespmem:s21+$0xC080]  }
0xdd: {  	v58 =	vld [tilespmem:s21+$0xC100]  }
0xde: {  	v59 =	vld [tilespmem:s21+$0xC180]  }
0xdf: {  	v60 =	vld [tilespmem:s21+$0xC200]  }
0xe0: {  	v61 =	vld [tilespmem:s21+$0xC280]  }
0xe1: {  	v62 =	vld [tilespmem:s21+$0xC300]  }
0xe2: {  	v63 =	vld [tilespmem:s21+$0xC380];
	_ =	sdelay $0x2  }
0xe3: {  	v1 =	vmax.f32 v1, v2;
	v2 =	vmax.f32 v3, v51;
	v3 =	vmax.f32 v52, v53  }
0xe4: {  	v17 =	vld [tilespmem:s19+$0x0];
	v18 =	vmax.f32 v54, v55;
	v19 =	vmax.f32 v56, v57;
	v20 =	vmax.f32 v58, v59  }
0xe5: {  	v21 =	vmax.f32 v60, v61;
	v22 =	vmax.f32 v62, v63;
	v1 =	vmax.f32 v1, v2  }
0xe6: {  	v2 =	vmax.f32 v3, v18;
	v3 =	vmax.f32 v19, v20;
	v23 =	vmax.f32 v21, v22  }
0xe7: {  	v1 =	vmax.f32 v1, v2;
	v2 =	vmax.f32 v3, v23  }
0xe8: {  	s28 =	sadd.s32 $0x30, s18;
	s29 =	sadd.s32 $0x180, s20;
	v1 =	vmax.f32 v1, v2  }
0xe9: {  	s22 =	sand.u32 $0xFC00, s29;
	s21 =	sand.u32 $0x70, s28;
	v1 =	vmax.f32 v1, v17  }
0xea: {  	s21 =	sor.u32 s21, s22;
	[tilespmem:s19+$0x0] =	vst v1  }
0xeb: {  	v1 =	vld [tilespmem:s21+$0x8000]  }
0xec: {  	v2 =	vld [tilespmem:s21+$0x8080]  }
0xed: {  	v3 =	vld [tilespmem:s21+$0x8100]  }
0xee: {  	v24 =	vld [tilespmem:s21+$0x8180]  }
0xef: {  	v25 =	vld [tilespmem:s21+$0x8200]  }
0xf0: {  	v26 =	vld [tilespmem:s21+$0x8280]  }
0xf1: {  	v27 =	vld [tilespmem:s21+$0x8300]  }
0xf2: {  	v28 =	vld [tilespmem:s21+$0x8380]  }
0xf3: {  	v29 =	vld [tilespmem:s21+$0xC000]  }
0xf4: {  	v30 =	vld [tilespmem:s21+$0xC080]  }
0xf5: {  	v31 =	vld [tilespmem:s21+$0xC100]  }
0xf6: {  	v32 =	vld [tilespmem:s21+$0xC180]  }
0xf7: {  	v33 =	vld [tilespmem:s21+$0xC200]  }
0xf8: {  	v34 =	vld [tilespmem:s21+$0xC280]  }
0xf9: {  	v35 =	vld [tilespmem:s21+$0xC300]  }
0xfa: {  	v36 =	vld [tilespmem:s21+$0xC380];
	_ =	sdelay $0x2  }
0xfb: {  	v1 =	vmax.f32 v1, v2;
	v2 =	vmax.f32 v3, v24;
	v3 =	vmax.f32 v25, v26  }
0xfc: {  	v37 =	vld [tilespmem:s19+$0x10];
	v38 =	vmax.f32 v27, v28;
	v39 =	vmax.f32 v29, v30;
	v40 =	vmax.f32 v31, v32  }
0xfd: {  	v41 =	vmax.f32 v33, v34;
	v42 =	vmax.f32 v35, v36;
	v1 =	vmax.f32 v1, v2  }
0xfe: {  	v2 =	vmax.f32 v3, v38;
	v3 =	vmax.f32 v39, v40;
	v43 =	vmax.f32 v41, v42  }
0xff: {  	v1 =	vmax.f32 v1, v2;
	v2 =	vmax.f32 v3, v43  }
0x100: {  	s30 =	sadd.s32 $0x40, s18;
	s31 =	sadd.s32 $0x200, s20;
	v1 =	vmax.f32 v1, v2  }
0x101: {  	s22 =	sand.u32 $0xFC00, s31;
	s21 =	sand.u32 $0x70, s30;
	v1 =	vmax.f32 v1, v37  }
0x102: {  	s21 =	sor.u32 s21, s22;
	[tilespmem:s19+$0x10] =	vst v1  }
0x103: {  	v1 =	vld [tilespmem:s21+$0x8000]  }
0x104: {  	v2 =	vld [tilespmem:s21+$0x8080]  }
0x105: {  	v3 =	vld [tilespmem:s21+$0x8100]  }
0x106: {  	v44 =	vld [tilespmem:s21+$0x8180]  }
0x107: {  	v45 =	vld [tilespmem:s21+$0x8200]  }
0x108: {  	v46 =	vld [tilespmem:s21+$0x8280]  }
0x109: {  	v47 =	vld [tilespmem:s21+$0x8300]  }
0x10a: {  	v48 =	vld [tilespmem:s21+$0x8380]  }
0x10b: {  	v49 =	vld [tilespmem:s21+$0xC000]  }
0x10c: {  	v50 =	vld [tilespmem:s21+$0xC080]  }
0x10d: {  	v51 =	vld [tilespmem:s21+$0xC100]  }
0x10e: {  	v52 =	vld [tilespmem:s21+$0xC180]  }
0x10f: {  	v53 =	vld [tilespmem:s21+$0xC200]  }
0x110: {  	v54 =	vld [tilespmem:s21+$0xC280]  }
0x111: {  	v55 =	vld [tilespmem:s21+$0xC300]  }
0x112: {  	v56 =	vld [tilespmem:s21+$0xC380];
	_ =	sdelay $0x2  }
0x113: {  	v1 =	vmax.f32 v1, v2;
	v2 =	vmax.f32 v3, v44;
	v3 =	vmax.f32 v45, v46  }
0x114: {  	v57 =	vld [tilespmem:s19+$0x20];
	v58 =	vmax.f32 v47, v48;
	v59 =	vmax.f32 v49, v50;
	v60 =	vmax.f32 v51, v52  }
0x115: {  	p1 =	sne.s32 s20, $0x3C00;
	v61 =	vmax.f32 v53, v54;
	v62 =	vmax.f32 v55, v56;
	v1 =	vmax.f32 v1, v2  }
.Ltmp4:
0x116: {  	v2 =	vmax.f32 v3, v58;
	v3 =	vmax.f32 v59, v60;
	v63 =	vmax.f32 v61, v62;
	(pc) =	sbr.rel @p1 .LBB2_7-.Ltmp4, $4  }
0x117: {  	v1 =	vmax.f32 v1, v2;
	v2 =	vmax.f32 v3, v63  }
0x118: {  	v1 =	vmax.f32 v1, v2  }
0x119: {  	v1 =	vmax.f32 v1, v57  }
0x11a: {  	s18 =	sadd.s32 $0x50, s18;
	s20 =	sadd.s32 $0x280, s20;
	[tilespmem:s19+$0x20] =	vst v1;
	s19 =	sadd.s32 $0x50, s19  }
.Ltmp5:
0x11b: {  	(pc) =	sbr.rel @p0 .LBB2_10-.Ltmp5, $1  }
0x11c: {  	_ =	sdelay $0x3  }
.Ltmp6:
0x11d: {  	(pc) =	sbr.rel .LBB2_4-.Ltmp6, $4  }
0x11e: {  	s17 =	sadd.s32 s17, s7  }
0x11f: {  	s17 =	sshrl.u32 s17, $0x3  }
0x120: {  	s16 =	sadd.s32 $0x1, s16;
	s17 =	sadd.s32 s2, s17  }
0x121: {  	[tilespmem:s10], [sflag:$0x2] =	stream.linear.gather [hbm4b:s17+s3], $0x8000, $0x38;
	[tilespmem:$0x10800] =	vst v63  }
.LBB2_11:
0x122: {  	_ =	sfence.sel $0x180000  }
0x123: {  	[bflag:$0x0] =	sbarrier.arrive $0xFFFF  }
0x124: {  	p0 =	sne.s32 s0, $0x0;
	_ =	strace $0x90000047  }
0x125: {  	s0 =	sadd.s32 @!p0 $0x100000, s1;
	[bflag:$0x2] =	sbarrier.arrive $0xFFFF  }
0x126: {  	[sflag:s0] =	ssyncadd.tile.s32 @!p0 $0x1;
	_ =	shalt  }
.Lfunc_end2:
_tile_overlayer_lowered:
.L_overlay_start_2:
0x127: {  	(tag) =	ssettag $0x2  }
0x128: {  	s0 =	rddreg [dreg:$0x0];
	s2 =	stileid.u32  }
0x129: {  	s1 =	rddreg [dreg:$0x1];
	p0 =	sne.s32 s2, $0x0  }
0x12a: {  	s3 =	rddreg [dreg:$0x2];
	[bflag:$0x3] =	sbarrier.arrive $0xFFFF;
	s2 =	simm.s32 @!p0 $0x1C03  }
0x12b: {  	[timem:s3], [sflag:s2] =	dma.local @!p0 [hbm:s0], s1  }
0x12c: {  	s0 =	simm.s32 @!p0 $0x3  }
0x12d: {  	_ =	swait.ge @!p0 [sflag:s0], s1  }
0x12e: {  	s1 =	ssub.s32 @!p0 $0x0, s1;
	[sflag:s0] =	ssyncset.done @!p0 $0x0  }
0x12f: {  	[sflag:s0] =	ssyncadd.s32 @!p0 s1  }
0x130: {  	[bflag:$0x3] =	sbarrier.arrive $0xFFFF  }
0x131: {  	_ =	shalt  }

</sc_bundles>
